<compile_context>
chip_gen: v7x
topology: tpu7x:2x2x1
jax: 0.10.2.dev20260603
libtpu: 0.0.44.dev20260713+nightly
codegen_flags: <defaults>
</compile_context>

<pallas_src>
import functools

import jax
import jax.numpy as jnp
from jax import lax
from jax.experimental import pallas as pl
from jax.experimental.pallas import tpu as pltpu
from jax.experimental.pallas import tpu_sc as plsc

N = 10000
D = 128
E = 320000

NC, NS, L = 2, 16, 16
NW = NC * NS
NPAD = 10240
EROWS = 2560
ROWS_PER_W = EROWS // NW
PH = 40


def _deg_body(dst2d_hbm, ones_hbm, zeros_hbm, out_hbm, didx, ones_v, acc, dsem):
    c = lax.axis_index("c")
    s = lax.axis_index("s")
    wid = s * NC + c

    pltpu.sync_copy(ones_hbm, ones_v)

    @pl.when(s == 0)
    def _init():
        pltpu.sync_copy(zeros_hbm, acc)
    plsc.subcore_barrier()

    wbase = wid * ROWS_PER_W

    def chunk(k, _):
        pltpu.sync_copy(dst2d_hbm.at[pl.ds(wbase + k * 8, 8)], didx)
        cps = [pltpu.async_copy(ones_v, acc.at[didx.at[j]], dsem, add=True)
               for j in range(8)]
        for cp in cps:
            cp.wait()
        return 0
    lax.fori_loop(0, ROWS_PER_W // 8, chunk, 0)

    plsc.subcore_barrier()

    @pl.when(s == 0)
    def _copyout():
        pltpu.sync_copy(acc, out_hbm.at[c])


def _edge_body(y_hbm, src2d_hbm, dst2d_hbm, zeros_hbm, out_hbm,
               sidx, didx, rows0, rows1, acc, sem0, sem1):
    c = lax.axis_index("c")
    s = lax.axis_index("s")
    wid = s * NC + c

    @pl.when(s == 0)
    def _init():
        pltpu.sync_copy(zeros_hbm, acc)
    plsc.subcore_barrier()

    wbase = wid * ROWS_PER_W

    for ph in range(ROWS_PER_W // PH):
        base = wbase + ph * PH
        pltpu.sync_copy(src2d_hbm.at[pl.ds(base, PH)], sidx)
        pltpu.sync_copy(dst2d_hbm.at[pl.ds(base, PH)], didx)
        pltpu.async_copy(y_hbm.at[sidx.at[0]], rows0, sem0)

        def body(t, _):
            j0 = 2 * t
            cp1 = pltpu.async_copy(y_hbm.at[sidx.at[j0 + 1]], rows1, sem1)
            pltpu.make_async_copy(y_hbm.at[sidx.at[j0]], rows0, sem0).wait()
            pltpu.sync_copy(rows0, acc.at[didx.at[j0]], add=True)

            @pl.when(j0 + 2 < PH)
            def _prefetch():
                pltpu.async_copy(y_hbm.at[sidx.at[j0 + 2]], rows0, sem0)

            cp1.wait()
            pltpu.sync_copy(rows1, acc.at[didx.at[j0 + 1]], add=True)
            return 0
        lax.fori_loop(0, PH // 2, body, 0)

    plsc.subcore_barrier()

    @pl.when(s == 0)
    def _copyout():
        pltpu.sync_copy(acc, out_hbm.at[c])


@functools.cache
def _sc_kernels():
    mesh = plsc.VectorSubcoreMesh(core_axis_name="c", subcore_axis_name="s",
                                  num_cores=NC, num_subcores=NS)
    deg = pl.kernel(
        _deg_body,
        out_type=jax.ShapeDtypeStruct((NC, NPAD, D), jnp.float32),
        mesh=mesh,
        scratch_types=[
            pltpu.VMEM((8, 128), jnp.int32),
            pltpu.VMEM((128, D), jnp.float32),
            pltpu.VMEM_SHARED((NPAD, D), jnp.float32),
            pltpu.SemaphoreType.DMA,
        ],
    )
    edge = pl.kernel(
        _edge_body,
        out_type=jax.ShapeDtypeStruct((NC, NPAD, D), jnp.float32),
        mesh=mesh,
        scratch_types=[
            pltpu.VMEM((PH, 128), jnp.int32),
            pltpu.VMEM((PH, 128), jnp.int32),
            pltpu.VMEM((128, D), jnp.float32),
            pltpu.VMEM((128, D), jnp.float32),
            pltpu.VMEM_SHARED((NPAD, D), jnp.float32),
            pltpu.SemaphoreType.DMA,
            pltpu.SemaphoreType.DMA,
        ],
    )
    return deg, edge



def _tc1_body(x_ref, w1_ref, degp_ref, y1_ref, dinv_ref):
    cnt = degp_ref[0, :N, 0:1] + degp_ref[1, :N, 0:1]
    dinv = lax.rsqrt(cnt + 1.0)
    xw = jnp.dot(x_ref[...], w1_ref[...], preferred_element_type=jnp.float32)
    y1_ref[...] = xw * dinv
    dinv_ref[...] = dinv


def _tc2_body(p_ref, y1_ref, dinv_ref, b1_ref, w2_ref, y2_ref):
    dinv = dinv_ref[...]
    z = p_ref[0, :N, :] + p_ref[1, :N, :] + y1_ref[...]
    h = jnp.maximum(z * dinv + b1_ref[...][None, :], 0.0)
    y2_ref[...] = jnp.dot(h, w2_ref[...],
                          preferred_element_type=jnp.float32) * dinv


def _tc3_body(q_ref, y2_ref, dinv_ref, b2_ref, out_ref):
    z = q_ref[0, :N, :] + q_ref[1, :N, :] + y2_ref[...]
    out_ref[...] = z * dinv_ref[...] + b2_ref[...][None, :]


_tc1 = pl.pallas_call(
    _tc1_body,
    out_shape=(jax.ShapeDtypeStruct((N, D), jnp.float32),
               jax.ShapeDtypeStruct((N, 1), jnp.float32)),
)

_tc2 = pl.pallas_call(
    _tc2_body,
    out_shape=jax.ShapeDtypeStruct((N, D), jnp.float32),
)

_tc3 = pl.pallas_call(
    _tc3_body,
    out_shape=jax.ShapeDtypeStruct((N, D), jnp.float32),
)



def kernel(x, edge_index, W1, b1, W2, b2):
    ei = edge_index.astype(jnp.int32)
    npad_e = EROWS * 128 - E
    pad = jnp.arange(npad_e, dtype=jnp.int32)
    src2d = jnp.concatenate([ei[0], pad % N]).reshape(EROWS, 128)
    dst2d = jnp.concatenate(
        [ei[1], N + pad % (NPAD - N)]).reshape(EROWS, 128)

    deg_kernel, edge_kernel = _sc_kernels()
    zeros = jnp.zeros((NPAD, D), jnp.float32)
    ones = jnp.ones((128, D), jnp.float32)
    degp = deg_kernel(dst2d, ones, zeros)
    y1, dinv = _tc1(x, W1, degp)
    p = edge_kernel(y1, src2d, dst2d, zeros)
    y2 = _tc2(p, y1, dinv, b1, W2)
    q = edge_kernel(y2, src2d, dst2d, zeros)
    return _tc3(q, y2, dinv, b2)

# --- scband reference (transcript-rebuilt; emitter-appended) ---
"""Pipeline reference for scband-gatcomm-19902878449953 (READ-ONLY COPY).

The authoritative reference and input builder live on the scoring server;
editing this copy changes nothing except your own understanding.
"""

import jax, jax.numpy as jnp
import numpy as np

N_NODES = 10000
D_IN = 128
D_HID = 128
D_OUT = 128
N_EDGES = 320000


def _gcn_conv(x, src, dst, num_nodes, W, b):
    # add self-loops
    loop = jnp.arange(num_nodes, dtype=src.dtype)
    s = jnp.concatenate([src, loop])
    d = jnp.concatenate([dst, loop])
    # symmetric normalization D^{-1/2} A_hat D^{-1/2}
    deg = jnp.zeros((num_nodes,), dtype=x.dtype).at[d].add(1.0)
    dinv = jnp.where(deg > 0, jax.lax.rsqrt(deg), 0.0)
    norm = dinv[s] * dinv[d]
    xw = x @ W
    msgs = jnp.take(xw, s, axis=0) * norm[:, None]
    out = jax.ops.segment_sum(msgs, d, num_segments=num_nodes)
    return out + b


def setup_inputs(seed: int = 0) -> dict:
    key = jax.random.key(seed)
    k1, k2, k3, k4, k5, k6 = jax.random.split(key, 6)
    x = jax.random.normal(k1, (N_NODES, D_IN), dtype=jnp.float32)
    edge_index = jax.random.randint(k2, (2, N_EDGES), 0, N_NODES, dtype=jnp.int64)
    # glorot-style init for GCN weights
    s1 = 1.0 / np.sqrt(D_IN)
    s2 = 1.0 / np.sqrt(D_HID)
    W1 = jax.random.uniform(k3, (D_IN, D_HID), dtype=jnp.float32, minval=-s1, maxval=s1)
    b1 = jnp.zeros((D_HID,), dtype=jnp.float32)
    W2 = jax.random.uniform(k4, (D_HID, D_OUT), dtype=jnp.float32, minval=-s2, maxval=s2)
    b2 = jnp.zeros((D_OUT,), dtype=jnp.float32)
    return {"x": x, "edge_index": edge_index, "W1": W1, "b1": b1, "W2": W2, "b2": b2}


def reference(x, edge_index, W1, b1, W2, b2):
    src = edge_index[0]
    dst = edge_index[1]
    h = _gcn_conv(x, src, dst, N_NODES, W1, b1)
    h = jax.nn.relu(h)
    out = _gcn_conv(h, src, dst, N_NODES, W2, b2)
    return out

if __name__ == "__main__":
    import jax
    _d = setup_inputs()
    print(jax.jit(kernel)(*tuple(_d.values())))

</pallas_src>

<mosaic_0001>
#map = affine_map<(d0, d1) -> (0, 0)>
#map1 = affine_map<(d0, d1) -> (0, 0, 0)>
module attributes {stable_mosaic.version = 14 : i64} {
  func.func @_edge_body(%arg0: i32, %arg1: i32, %arg2: memref<10000x128xf32, #tpu.memory_space<hbm>>, %arg3: memref<2560x128xi32, #tpu.memory_space<hbm>>, %arg4: memref<2560x128xi32, #tpu.memory_space<hbm>>, %arg5: memref<10240x128xf32, #tpu.memory_space<hbm>>, %arg6: memref<2x10240x128xf32, #tpu.memory_space<hbm>>, %arg7: memref<40x128xi32, #tpu.memory_space<vmem>>, %arg8: memref<40x128xi32, #tpu.memory_space<vmem>>, %arg9: memref<128x128xf32, #tpu.memory_space<vmem>>, %arg10: memref<128x128xf32, #tpu.memory_space<vmem>>, %arg11: memref<10240x128xf32, #tpu.memory_space<vmem_shared>>, %arg12: memref<!tpu.dma_semaphore, #tpu.memory_space<semaphore_mem>>, %arg13: memref<!tpu.dma_semaphore, #tpu.memory_space<semaphore_mem>>) attributes {dimension_semantics = [#tpu.dimension_semantics<core_parallel>, #tpu.dimension_semantics<subcore_parallel>], iteration_bounds = array<i64: 2, 16>, scalar_prefetch = 0 : i64, scratch_operands = 7 : i64, tpu.core_type = #tpu.core_type<sc_vector_subcore>, window_params = [{transform_indices = #map}, {transform_indices = #map}, {transform_indices = #map}, {transform_indices = #map}, {transform_indices = #map1}]} {
    %mul3A = arith.constant 2 : i32
    %mul3A_0 = arith.muli %arg1, %mul3A : i32
    %add3A = arith.addi %mul3A_0, %arg0 : i32
    %eq3A = arith.constant 0 : i32
    %eq3A_1 = arith.cmpi eq, %arg1, %eq3A : i32
    %convert_element_type3A = arith.extui %eq3A_1 : i1 to i32
    %cond3A = arith.constant 0 : i32
    %cond3A_2 = arith.cmpi ne, %convert_element_type3A, %cond3A : i32
    scf.if %cond3A_2 {
      "tpu.region"() ({
        %run_scoped3A = tpu.sem_alloc : memref<!tpu.dma_semaphore, #tpu.memory_space<semaphore_mem>>
        tpu.enqueue_dma source(%arg5 : memref<10240x128xf32, #tpu.memory_space<hbm>>) target(%arg11 : memref<10240x128xf32, #tpu.memory_space<vmem_shared>>) target_semaphore(%run_scoped3A : memref<!tpu.dma_semaphore, #tpu.memory_space<semaphore_mem>>)
        tpu.wait_dma2 semaphore(%run_scoped3A : memref<!tpu.dma_semaphore, #tpu.memory_space<semaphore_mem>>) src(%arg5 : memref<10240x128xf32, #tpu.memory_space<hbm>>) dst(%arg11 : memref<10240x128xf32, #tpu.memory_space<vmem_shared>>)
        tpu.yield
      }) : () -> ()
    } else {
    }
    %barrier3A = arith.constant 0 : index
    tpu.barrier barrier_id(%barrier3A)
    %mul3A_3 = arith.constant 80 : i32
    %mul3A_4 = arith.muli %add3A, %mul3A_3 : i32
    %add3A_5 = arith.constant 0 : i32
    %add3A_6 = arith.addi %mul3A_4, %add3A_5 : i32
    "tpu.region"() ({
      %run_scoped3A = tpu.sem_alloc : memref<!tpu.dma_semaphore, #tpu.memory_space<semaphore_mem>>
      %dma_start3A_41 = arith.constant 0 : i32
      %dma_start3A_42 = tpu.memref_slice %arg3[%add3A_6, %dma_start3A_41] : memref<2560x128xi32, #tpu.memory_space<hbm>> -> memref<40x128xi32, #tpu.memory_space<hbm>>
      %dma_start3A_43 = arith.constant 0 : i32
      %dma_start3A_44 = tpu.memref_slice %arg3[%add3A_6, %dma_start3A_43] : memref<2560x128xi32, #tpu.memory_space<hbm>> -> memref<40x128xi32, #tpu.memory_space<hbm>>
      tpu.enqueue_dma source(%dma_start3A_44 : memref<40x128xi32, #tpu.memory_space<hbm>>) target(%arg7 : memref<40x128xi32, #tpu.memory_space<vmem>>) target_semaphore(%run_scoped3A : memref<!tpu.dma_semaphore, #tpu.memory_space<semaphore_mem>>)
      %dma_wait3A = arith.constant 0 : i32
      %dma_wait3A_45 = tpu.memref_slice %arg3[%add3A_6, %dma_wait3A] : memref<2560x128xi32, #tpu.memory_space<hbm>> -> memref<40x128xi32, #tpu.memory_space<hbm>>
      %dma_wait3A_46 = arith.constant 0 : i32
      %dma_wait3A_47 = tpu.memref_slice %arg3[%add3A_6, %dma_wait3A_46] : memref<2560x128xi32, #tpu.memory_space<hbm>> -> memref<40x128xi32, #tpu.memory_space<hbm>>
      tpu.wait_dma2 semaphore(%run_scoped3A : memref<!tpu.dma_semaphore, #tpu.memory_space<semaphore_mem>>) src(%dma_wait3A_47 : memref<40x128xi32, #tpu.memory_space<hbm>>) dst(%arg7 : memref<40x128xi32, #tpu.memory_space<vmem>>)
      tpu.yield
    }) : () -> ()
    "tpu.region"() ({
      %run_scoped3A = tpu.sem_alloc : memref<!tpu.dma_semaphore, #tpu.memory_space<semaphore_mem>>
      %dma_start3A_41 = arith.constant 0 : i32
      %dma_start3A_42 = tpu.memref_slice %arg4[%add3A_6, %dma_start3A_41] : memref<2560x128xi32, #tpu.memory_space<hbm>> -> memref<40x128xi32, #tpu.memory_space<hbm>>
      %dma_start3A_43 = arith.constant 0 : i32
      %dma_start3A_44 = tpu.memref_slice %arg4[%add3A_6, %dma_start3A_43] : memref<2560x128xi32, #tpu.memory_space<hbm>> -> memref<40x128xi32, #tpu.memory_space<hbm>>
      tpu.enqueue_dma source(%dma_start3A_44 : memref<40x128xi32, #tpu.memory_space<hbm>>) target(%arg8 : memref<40x128xi32, #tpu.memory_space<vmem>>) target_semaphore(%run_scoped3A : memref<!tpu.dma_semaphore, #tpu.memory_space<semaphore_mem>>)
      %dma_wait3A = arith.constant 0 : i32
      %dma_wait3A_45 = tpu.memref_slice %arg4[%add3A_6, %dma_wait3A] : memref<2560x128xi32, #tpu.memory_space<hbm>> -> memref<40x128xi32, #tpu.memory_space<hbm>>
      %dma_wait3A_46 = arith.constant 0 : i32
      %dma_wait3A_47 = tpu.memref_slice %arg4[%add3A_6, %dma_wait3A_46] : memref<2560x128xi32, #tpu.memory_space<hbm>> -> memref<40x128xi32, #tpu.memory_space<hbm>>
      tpu.wait_dma2 semaphore(%run_scoped3A : memref<!tpu.dma_semaphore, #tpu.memory_space<semaphore_mem>>) src(%dma_wait3A_47 : memref<40x128xi32, #tpu.memory_space<hbm>>) dst(%arg8 : memref<40x128xi32, #tpu.memory_space<vmem>>)
      tpu.yield
    }) : () -> ()
    %dma_start3A = arith.constant 0 : i32
    %dma_start3A_7 = arith.constant 0 : i32
    %dma_start3A_8 = tpu.memref_slice %arg7[%dma_start3A, %dma_start3A_7] : memref<40x128xi32, #tpu.memory_space<vmem>> -> memref<1x128xi32, #tpu.memory_space<vmem>>
    %dma_start3A_9 = tpu.memref_squeeze %dma_start3A_8 : memref<1x128xi32, #tpu.memory_space<vmem>> -> memref<128xi32, #tpu.memory_space<vmem>>
    %dma_start3A_10 = arith.constant 0 : i32
    %dma_start3A_11 = arith.constant 0 : i32
    %dma_start3A_12 = tpu.memref_slice %arg2[%dma_start3A_10, %dma_start3A_11] : memref<10000x128xf32, #tpu.memory_space<hbm>> -> memref<10000x128xf32, #tpu.memory_space<hbm>>
    tpu.enqueue_indirect_dma source(%dma_start3A_12 : memref<10000x128xf32, #tpu.memory_space<hbm>>) target(%arg9 : memref<128x128xf32, #tpu.memory_space<vmem>>) offsets(%dma_start3A_9 : memref<128xi32, #tpu.memory_space<vmem>>) semaphore(%arg12 : memref<!tpu.dma_semaphore, #tpu.memory_space<semaphore_mem>>)
    %scan3A = arith.constant 0 : i32
    %scan3A_13 = arith.constant 0 : i32
    %scan3A_14 = arith.constant 20 : i32
    %scan3A_15 = arith.addi %scan3A_13, %scan3A_14 : i32
    %scan3A_16 = arith.constant 1 : i32
    %scan3A_17 = scf.for %scan3A_41 = %scan3A_13 to %scan3A_15 step %scan3A_16 iter_args(%scan3A_42 = %scan3A) -> (i32)  : i32 {
      %mul3A_43 = arith.constant 2 : i32
      %mul3A_44 = arith.muli %mul3A_43, %scan3A_41 : i32
      %add3A_45 = arith.constant 1 : i32
      %add3A_46 = arith.addi %mul3A_44, %add3A_45 : i32
      %dma_start3A_47 = arith.constant 0 : i32
      %dma_start3A_48 = tpu.memref_slice %arg7[%add3A_46, %dma_start3A_47] : memref<40x128xi32, #tpu.memory_space<vmem>> -> memref<1x128xi32, #tpu.memory_space<vmem>>
      %dma_start3A_49 = tpu.memref_squeeze %dma_start3A_48 : memref<1x128xi32, #tpu.memory_space<vmem>> -> memref<128xi32, #tpu.memory_space<vmem>>
      %dma_start3A_50 = arith.constant 0 : i32
      %dma_start3A_51 = arith.constant 0 : i32
      %dma_start3A_52 = tpu.memref_slice %arg2[%dma_start3A_50, %dma_start3A_51] : memref<10000x128xf32, #tpu.memory_space<hbm>> -> memref<10000x128xf32, #tpu.memory_space<hbm>>
      tpu.enqueue_indirect_dma source(%dma_start3A_52 : memref<10000x128xf32, #tpu.memory_space<hbm>>) target(%arg10 : memref<128x128xf32, #tpu.memory_space<vmem>>) offsets(%dma_start3A_49 : memref<128xi32, #tpu.memory_space<vmem>>) semaphore(%arg13 : memref<!tpu.dma_semaphore, #tpu.memory_space<semaphore_mem>>)
      %dma_wait3A = arith.constant 0 : i32
      %dma_wait3A_53 = tpu.memref_slice %arg7[%mul3A_44, %dma_wait3A] : memref<40x128xi32, #tpu.memory_space<vmem>> -> memref<1x128xi32, #tpu.memory_space<vmem>>
      %dma_wait3A_54 = tpu.memref_squeeze %dma_wait3A_53 : memref<1x128xi32, #tpu.memory_space<vmem>> -> memref<128xi32, #tpu.memory_space<vmem>>
      %dma_wait3A_55 = arith.constant 0 : i32
      %dma_wait3A_56 = arith.constant 0 : i32
      %dma_wait3A_57 = tpu.memref_slice %arg2[%dma_wait3A_55, %dma_wait3A_56] : memref<10000x128xf32, #tpu.memory_space<hbm>> -> memref<10000x128xf32, #tpu.memory_space<hbm>>
      tpu.wait_indirect_dma semaphore(%arg12 : memref<!tpu.dma_semaphore, #tpu.memory_space<semaphore_mem>>) src(%dma_wait3A_57 : memref<10000x128xf32, #tpu.memory_space<hbm>>) dst(%arg9 : memref<128x128xf32, #tpu.memory_space<vmem>>)
      "tpu.region"() ({
        %run_scoped3A = tpu.sem_alloc : memref<!tpu.dma_semaphore, #tpu.memory_space<semaphore_mem>>
        %dma_start3A_73 = arith.constant 0 : i32
        %dma_start3A_74 = tpu.memref_slice %arg8[%mul3A_44, %dma_start3A_73] : memref<40x128xi32, #tpu.memory_space<vmem>> -> memref<1x128xi32, #tpu.memory_space<vmem>>
        %dma_start3A_75 = tpu.memref_squeeze %dma_start3A_74 : memref<1x128xi32, #tpu.memory_space<vmem>> -> memref<128xi32, #tpu.memory_space<vmem>>
        %dma_start3A_76 = arith.constant 0 : i32
        %dma_start3A_77 = arith.constant 0 : i32
        %dma_start3A_78 = tpu.memref_slice %arg11[%dma_start3A_76, %dma_start3A_77] : memref<10240x128xf32, #tpu.memory_space<vmem_shared>> -> memref<10240x128xf32, #tpu.memory_space<vmem_shared>>
        tpu.enqueue_indirect_dma source(%arg9 : memref<128x128xf32, #tpu.memory_space<vmem>>) target(%dma_start3A_78 : memref<10240x128xf32, #tpu.memory_space<vmem_shared>>) offsets(%dma_start3A_75 : memref<128xi32, #tpu.memory_space<vmem>>) semaphore(%run_scoped3A : memref<!tpu.dma_semaphore, #tpu.memory_space<semaphore_mem>>) {add = true}
        %dma_wait3A_79 = arith.constant 0 : i32
        %dma_wait3A_80 = tpu.memref_slice %arg8[%mul3A_44, %dma_wait3A_79] : memref<40x128xi32, #tpu.memory_space<vmem>> -> memref<1x128xi32, #tpu.memory_space<vmem>>
        %dma_wait3A_81 = tpu.memref_squeeze %dma_wait3A_80 : memref<1x128xi32, #tpu.memory_space<vmem>> -> memref<128xi32, #tpu.memory_space<vmem>>
        %dma_wait3A_82 = arith.constant 0 : i32
        %dma_wait3A_83 = arith.constant 0 : i32
        %dma_wait3A_84 = tpu.memref_slice %arg11[%dma_wait3A_82, %dma_wait3A_83] : memref<10240x128xf32, #tpu.memory_space<vmem_shared>> -> memref<10240x128xf32, #tpu.memory_space<vmem_shared>>
        tpu.wait_indirect_dma semaphore(%run_scoped3A : memref<!tpu.dma_semaphore, #tpu.memory_space<semaphore_mem>>) src(%arg9 : memref<128x128xf32, #tpu.memory_space<vmem>>) dst(%dma_wait3A_84 : memref<10240x128xf32, #tpu.memory_space<vmem_shared>>)
        tpu.yield
      }) : () -> ()
      %add3A_58 = arith.constant 2 : i32
      %add3A_59 = arith.addi %mul3A_44, %add3A_58 : i32
      %lt3A = arith.constant 40 : i32
      %lt3A_60 = arith.cmpi slt, %add3A_59, %lt3A : i32
      %convert_element_type3A_61 = arith.extui %lt3A_60 : i1 to i32
      %cond3A_62 = arith.constant 0 : i32
      %cond3A_63 = arith.cmpi ne, %convert_element_type3A_61, %cond3A_62 : i32
      scf.if %cond3A_63 {
        %add3A_73 = arith.constant 2 : i32
        %add3A_74 = arith.addi %mul3A_44, %add3A_73 : i32
        %dma_start3A_75 = arith.constant 0 : i32
        %dma_start3A_76 = tpu.memref_slice %arg7[%add3A_74, %dma_start3A_75] : memref<40x128xi32, #tpu.memory_space<vmem>> -> memref<1x128xi32, #tpu.memory_space<vmem>>
        %dma_start3A_77 = tpu.memref_squeeze %dma_start3A_76 : memref<1x128xi32, #tpu.memory_space<vmem>> -> memref<128xi32, #tpu.memory_space<vmem>>
        %dma_start3A_78 = arith.constant 0 : i32
        %dma_start3A_79 = arith.constant 0 : i32
        %dma_start3A_80 = tpu.memref_slice %arg2[%dma_start3A_78, %dma_start3A_79] : memref<10000x128xf32, #tpu.memory_space<hbm>> -> memref<10000x128xf32, #tpu.memory_space<hbm>>
        tpu.enqueue_indirect_dma source(%dma_start3A_80 : memref<10000x128xf32, #tpu.memory_space<hbm>>) target(%arg9 : memref<128x128xf32, #tpu.memory_space<vmem>>) offsets(%dma_start3A_77 : memref<128xi32, #tpu.memory_space<vmem>>) semaphore(%arg12 : memref<!tpu.dma_semaphore, #tpu.memory_space<semaphore_mem>>)
      } else {
      }
      %dma_wait3A_64 = arith.constant 0 : i32
      %dma_wait3A_65 = tpu.memref_slice %arg7[%add3A_46, %dma_wait3A_64] : memref<40x128xi32, #tpu.memory_space<vmem>> -> memref<1x128xi32, #tpu.memory_space<vmem>>
      %dma_wait3A_66 = tpu.memref_squeeze %dma_wait3A_65 : memref<1x128xi32, #tpu.memory_space<vmem>> -> memref<128xi32, #tpu.memory_space<vmem>>
      %dma_wait3A_67 = arith.constant 0 : i32
      %dma_wait3A_68 = arith.constant 0 : i32
      %dma_wait3A_69 = tpu.memref_slice %arg2[%dma_wait3A_67, %dma_wait3A_68] : memref<10000x128xf32, #tpu.memory_space<hbm>> -> memref<10000x128xf32, #tpu.memory_space<hbm>>
      tpu.wait_indirect_dma semaphore(%arg13 : memref<!tpu.dma_semaphore, #tpu.memory_space<semaphore_mem>>) src(%dma_wait3A_69 : memref<10000x128xf32, #tpu.memory_space<hbm>>) dst(%arg10 : memref<128x128xf32, #tpu.memory_space<vmem>>)
      %add3A_70 = arith.constant 1 : i32
      %add3A_71 = arith.addi %mul3A_44, %add3A_70 : i32
      "tpu.region"() ({
        %run_scoped3A = tpu.sem_alloc : memref<!tpu.dma_semaphore, #tpu.memory_space<semaphore_mem>>
        %dma_start3A_73 = arith.constant 0 : i32
        %dma_start3A_74 = tpu.memref_slice %arg8[%add3A_71, %dma_start3A_73] : memref<40x128xi32, #tpu.memory_space<vmem>> -> memref<1x128xi32, #tpu.memory_space<vmem>>
        %dma_start3A_75 = tpu.memref_squeeze %dma_start3A_74 : memref<1x128xi32, #tpu.memory_space<vmem>> -> memref<128xi32, #tpu.memory_space<vmem>>
        %dma_start3A_76 = arith.constant 0 : i32
        %dma_start3A_77 = arith.constant 0 : i32
        %dma_start3A_78 = tpu.memref_slice %arg11[%dma_start3A_76, %dma_start3A_77] : memref<10240x128xf32, #tpu.memory_space<vmem_shared>> -> memref<10240x128xf32, #tpu.memory_space<vmem_shared>>
        tpu.enqueue_indirect_dma source(%arg10 : memref<128x128xf32, #tpu.memory_space<vmem>>) target(%dma_start3A_78 : memref<10240x128xf32, #tpu.memory_space<vmem_shared>>) offsets(%dma_start3A_75 : memref<128xi32, #tpu.memory_space<vmem>>) semaphore(%run_scoped3A : memref<!tpu.dma_semaphore, #tpu.memory_space<semaphore_mem>>) {add = true}
        %dma_wait3A_79 = arith.constant 0 : i32
        %dma_wait3A_80 = tpu.memref_slice %arg8[%add3A_71, %dma_wait3A_79] : memref<40x128xi32, #tpu.memory_space<vmem>> -> memref<1x128xi32, #tpu.memory_space<vmem>>
        %dma_wait3A_81 = tpu.memref_squeeze %dma_wait3A_80 : memref<1x128xi32, #tpu.memory_space<vmem>> -> memref<128xi32, #tpu.memory_space<vmem>>
        %dma_wait3A_82 = arith.constant 0 : i32
        %dma_wait3A_83 = arith.constant 0 : i32
        %dma_wait3A_84 = tpu.memref_slice %arg11[%dma_wait3A_82, %dma_wait3A_83] : memref<10240x128xf32, #tpu.memory_space<vmem_shared>> -> memref<10240x128xf32, #tpu.memory_space<vmem_shared>>
        tpu.wait_indirect_dma semaphore(%run_scoped3A : memref<!tpu.dma_semaphore, #tpu.memory_space<semaphore_mem>>) src(%arg10 : memref<128x128xf32, #tpu.memory_space<vmem>>) dst(%dma_wait3A_84 : memref<10240x128xf32, #tpu.memory_space<vmem_shared>>)
        tpu.yield
      }) : () -> ()
      %scan3A_72 = arith.constant 0 : i32
      scf.yield %scan3A_72 : i32
    }
    %scan3A_18 = arith.constant 20 : i32
    %add3A_19 = arith.constant 40 : i32
    %add3A_20 = arith.addi %mul3A_4, %add3A_19 : i32
    "tpu.region"() ({
      %run_scoped3A = tpu.sem_alloc : memref<!tpu.dma_semaphore, #tpu.memory_space<semaphore_mem>>
      %dma_start3A_41 = arith.constant 0 : i32
      %dma_start3A_42 = tpu.memref_slice %arg3[%add3A_20, %dma_start3A_41] : memref<2560x128xi32, #tpu.memory_space<hbm>> -> memref<40x128xi32, #tpu.memory_space<hbm>>
      %dma_start3A_43 = arith.constant 0 : i32
      %dma_start3A_44 = tpu.memref_slice %arg3[%add3A_20, %dma_start3A_43] : memref<2560x128xi32, #tpu.memory_space<hbm>> -> memref<40x128xi32, #tpu.memory_space<hbm>>
      tpu.enqueue_dma source(%dma_start3A_44 : memref<40x128xi32, #tpu.memory_space<hbm>>) target(%arg7 : memref<40x128xi32, #tpu.memory_space<vmem>>) target_semaphore(%run_scoped3A : memref<!tpu.dma_semaphore, #tpu.memory_space<semaphore_mem>>)
      %dma_wait3A = arith.constant 0 : i32
      %dma_wait3A_45 = tpu.memref_slice %arg3[%add3A_20, %dma_wait3A] : memref<2560x128xi32, #tpu.memory_space<hbm>> -> memref<40x128xi32, #tpu.memory_space<hbm>>
      %dma_wait3A_46 = arith.constant 0 : i32
      %dma_wait3A_47 = tpu.memref_slice %arg3[%add3A_20, %dma_wait3A_46] : memref<2560x128xi32, #tpu.memory_space<hbm>> -> memref<40x128xi32, #tpu.memory_space<hbm>>
      tpu.wait_dma2 semaphore(%run_scoped3A : memref<!tpu.dma_semaphore, #tpu.memory_space<semaphore_mem>>) src(%dma_wait3A_47 : memref<40x128xi32, #tpu.memory_space<hbm>>) dst(%arg7 : memref<40x128xi32, #tpu.memory_space<vmem>>)
      tpu.yield
    }) : () -> ()
    "tpu.region"() ({
      %run_scoped3A = tpu.sem_alloc : memref<!tpu.dma_semaphore, #tpu.memory_space<semaphore_mem>>
      %dma_start3A_41 = arith.constant 0 : i32
      %dma_start3A_42 = tpu.memref_slice %arg4[%add3A_20, %dma_start3A_41] : memref<2560x128xi32, #tpu.memory_space<hbm>> -> memref<40x128xi32, #tpu.memory_space<hbm>>
      %dma_start3A_43 = arith.constant 0 : i32
      %dma_start3A_44 = tpu.memref_slice %arg4[%add3A_20, %dma_start3A_43] : memref<2560x128xi32, #tpu.memory_space<hbm>> -> memref<40x128xi32, #tpu.memory_space<hbm>>
      tpu.enqueue_dma source(%dma_start3A_44 : memref<40x128xi32, #tpu.memory_space<hbm>>) target(%arg8 : memref<40x128xi32, #tpu.memory_space<vmem>>) target_semaphore(%run_scoped3A : memref<!tpu.dma_semaphore, #tpu.memory_space<semaphore_mem>>)
      %dma_wait3A = arith.constant 0 : i32
      %dma_wait3A_45 = tpu.memref_slice %arg4[%add3A_20, %dma_wait3A] : memref<2560x128xi32, #tpu.memory_space<hbm>> -> memref<40x128xi32, #tpu.memory_space<hbm>>
      %dma_wait3A_46 = arith.constant 0 : i32
      %dma_wait3A_47 = tpu.memref_slice %arg4[%add3A_20, %dma_wait3A_46] : memref<2560x128xi32, #tpu.memory_space<hbm>> -> memref<40x128xi32, #tpu.memory_space<hbm>>
      tpu.wait_dma2 semaphore(%run_scoped3A : memref<!tpu.dma_semaphore, #tpu.memory_space<semaphore_mem>>) src(%dma_wait3A_47 : memref<40x128xi32, #tpu.memory_space<hbm>>) dst(%arg8 : memref<40x128xi32, #tpu.memory_space<vmem>>)
      tpu.yield
    }) : () -> ()
    %dma_start3A_21 = arith.constant 0 : i32
    %dma_start3A_22 = arith.constant 0 : i32
    %dma_start3A_23 = tpu.memref_slice %arg7[%dma_start3A_21, %dma_start3A_22] : memref<40x128xi32, #tpu.memory_space<vmem>> -> memref<1x128xi32, #tpu.memory_space<vmem>>
    %dma_start3A_24 = tpu.memref_squeeze %dma_start3A_23 : memref<1x128xi32, #tpu.memory_space<vmem>> -> memref<128xi32, #tpu.memory_space<vmem>>
    %dma_start3A_25 = arith.constant 0 : i32
    %dma_start3A_26 = arith.constant 0 : i32
    %dma_start3A_27 = tpu.memref_slice %arg2[%dma_start3A_25, %dma_start3A_26] : memref<10000x128xf32, #tpu.memory_space<hbm>> -> memref<10000x128xf32, #tpu.memory_space<hbm>>
    tpu.enqueue_indirect_dma source(%dma_start3A_27 : memref<10000x128xf32, #tpu.memory_space<hbm>>) target(%arg9 : memref<128x128xf32, #tpu.memory_space<vmem>>) offsets(%dma_start3A_24 : memref<128xi32, #tpu.memory_space<vmem>>) semaphore(%arg12 : memref<!tpu.dma_semaphore, #tpu.memory_space<semaphore_mem>>)
    %scan3A_28 = arith.constant 0 : i32
    %scan3A_29 = arith.constant 0 : i32
    %scan3A_30 = arith.constant 20 : i32
    %scan3A_31 = arith.addi %scan3A_29, %scan3A_30 : i32
    %scan3A_32 = arith.constant 1 : i32
    %scan3A_33 = scf.for %scan3A_41 = %scan3A_29 to %scan3A_31 step %scan3A_32 iter_args(%scan3A_42 = %scan3A_28) -> (i32)  : i32 {
      %mul3A_43 = arith.constant 2 : i32
      %mul3A_44 = arith.muli %mul3A_43, %scan3A_41 : i32
      %add3A_45 = arith.constant 1 : i32
      %add3A_46 = arith.addi %mul3A_44, %add3A_45 : i32
      %dma_start3A_47 = arith.constant 0 : i32
      %dma_start3A_48 = tpu.memref_slice %arg7[%add3A_46, %dma_start3A_47] : memref<40x128xi32, #tpu.memory_space<vmem>> -> memref<1x128xi32, #tpu.memory_space<vmem>>
      %dma_start3A_49 = tpu.memref_squeeze %dma_start3A_48 : memref<1x128xi32, #tpu.memory_space<vmem>> -> memref<128xi32, #tpu.memory_space<vmem>>
      %dma_start3A_50 = arith.constant 0 : i32
      %dma_start3A_51 = arith.constant 0 : i32
      %dma_start3A_52 = tpu.memref_slice %arg2[%dma_start3A_50, %dma_start3A_51] : memref<10000x128xf32, #tpu.memory_space<hbm>> -> memref<10000x128xf32, #tpu.memory_space<hbm>>
      tpu.enqueue_indirect_dma source(%dma_start3A_52 : memref<10000x128xf32, #tpu.memory_space<hbm>>) target(%arg10 : memref<128x128xf32, #tpu.memory_space<vmem>>) offsets(%dma_start3A_49 : memref<128xi32, #tpu.memory_space<vmem>>) semaphore(%arg13 : memref<!tpu.dma_semaphore, #tpu.memory_space<semaphore_mem>>)
      %dma_wait3A = arith.constant 0 : i32
      %dma_wait3A_53 = tpu.memref_slice %arg7[%mul3A_44, %dma_wait3A] : memref<40x128xi32, #tpu.memory_space<vmem>> -> memref<1x128xi32, #tpu.memory_space<vmem>>
      %dma_wait3A_54 = tpu.memref_squeeze %dma_wait3A_53 : memref<1x128xi32, #tpu.memory_space<vmem>> -> memref<128xi32, #tpu.memory_space<vmem>>
      %dma_wait3A_55 = arith.constant 0 : i32
      %dma_wait3A_56 = arith.constant 0 : i32
      %dma_wait3A_57 = tpu.memref_slice %arg2[%dma_wait3A_55, %dma_wait3A_56] : memref<10000x128xf32, #tpu.memory_space<hbm>> -> memref<10000x128xf32, #tpu.memory_space<hbm>>
      tpu.wait_indirect_dma semaphore(%arg12 : memref<!tpu.dma_semaphore, #tpu.memory_space<semaphore_mem>>) src(%dma_wait3A_57 : memref<10000x128xf32, #tpu.memory_space<hbm>>) dst(%arg9 : memref<128x128xf32, #tpu.memory_space<vmem>>)
      "tpu.region"() ({
        %run_scoped3A = tpu.sem_alloc : memref<!tpu.dma_semaphore, #tpu.memory_space<semaphore_mem>>
        %dma_start3A_73 = arith.constant 0 : i32
        %dma_start3A_74 = tpu.memref_slice %arg8[%mul3A_44, %dma_start3A_73] : memref<40x128xi32, #tpu.memory_space<vmem>> -> memref<1x128xi32, #tpu.memory_space<vmem>>
        %dma_start3A_75 = tpu.memref_squeeze %dma_start3A_74 : memref<1x128xi32, #tpu.memory_space<vmem>> -> memref<128xi32, #tpu.memory_space<vmem>>
        %dma_start3A_76 = arith.constant 0 : i32
        %dma_start3A_77 = arith.constant 0 : i32
        %dma_start3A_78 = tpu.memref_slice %arg11[%dma_start3A_76, %dma_start3A_77] : memref<10240x128xf32, #tpu.memory_space<vmem_shared>> -> memref<10240x128xf32, #tpu.memory_space<vmem_shared>>
        tpu.enqueue_indirect_dma source(%arg9 : memref<128x128xf32, #tpu.memory_space<vmem>>) target(%dma_start3A_78 : memref<10240x128xf32, #tpu.memory_space<vmem_shared>>) offsets(%dma_start3A_75 : memref<128xi32, #tpu.memory_space<vmem>>) semaphore(%run_scoped3A : memref<!tpu.dma_semaphore, #tpu.memory_space<semaphore_mem>>) {add = true}
        %dma_wait3A_79 = arith.constant 0 : i32
        %dma_wait3A_80 = tpu.memref_slice %arg8[%mul3A_44, %dma_wait3A_79] : memref<40x128xi32, #tpu.memory_space<vmem>> -> memref<1x128xi32, #tpu.memory_space<vmem>>
        %dma_wait3A_81 = tpu.memref_squeeze %dma_wait3A_80 : memref<1x128xi32, #tpu.memory_space<vmem>> -> memref<128xi32, #tpu.memory_space<vmem>>
        %dma_wait3A_82 = arith.constant 0 : i32
        %dma_wait3A_83 = arith.constant 0 : i32
        %dma_wait3A_84 = tpu.memref_slice %arg11[%dma_wait3A_82, %dma_wait3A_83] : memref<10240x128xf32, #tpu.memory_space<vmem_shared>> -> memref<10240x128xf32, #tpu.memory_space<vmem_shared>>
        tpu.wait_indirect_dma semaphore(%run_scoped3A : memref<!tpu.dma_semaphore, #tpu.memory_space<semaphore_mem>>) src(%arg9 : memref<128x128xf32, #tpu.memory_space<vmem>>) dst(%dma_wait3A_84 : memref<10240x128xf32, #tpu.memory_space<vmem_shared>>)
        tpu.yield
      }) : () -> ()
      %add3A_58 = arith.constant 2 : i32
      %add3A_59 = arith.addi %mul3A_44, %add3A_58 : i32
      %lt3A = arith.constant 40 : i32
      %lt3A_60 = arith.cmpi slt, %add3A_59, %lt3A : i32
      %convert_element_type3A_61 = arith.extui %lt3A_60 : i1 to i32
      %cond3A_62 = arith.constant 0 : i32
      %cond3A_63 = arith.cmpi ne, %convert_element_type3A_61, %cond3A_62 : i32
      scf.if %cond3A_63 {
        %add3A_73 = arith.constant 2 : i32
        %add3A_74 = arith.addi %mul3A_44, %add3A_73 : i32
        %dma_start3A_75 = arith.constant 0 : i32
        %dma_start3A_76 = tpu.memref_slice %arg7[%add3A_74, %dma_start3A_75] : memref<40x128xi32, #tpu.memory_space<vmem>> -> memref<1x128xi32, #tpu.memory_space<vmem>>
        %dma_start3A_77 = tpu.memref_squeeze %dma_start3A_76 : memref<1x128xi32, #tpu.memory_space<vmem>> -> memref<128xi32, #tpu.memory_space<vmem>>
        %dma_start3A_78 = arith.constant 0 : i32
        %dma_start3A_79 = arith.constant 0 : i32
        %dma_start3A_80 = tpu.memref_slice %arg2[%dma_start3A_78, %dma_start3A_79] : memref<10000x128xf32, #tpu.memory_space<hbm>> -> memref<10000x128xf32, #tpu.memory_space<hbm>>
        tpu.enqueue_indirect_dma source(%dma_start3A_80 : memref<10000x128xf32, #tpu.memory_space<hbm>>) target(%arg9 : memref<128x128xf32, #tpu.memory_space<vmem>>) offsets(%dma_start3A_77 : memref<128xi32, #tpu.memory_space<vmem>>) semaphore(%arg12 : memref<!tpu.dma_semaphore, #tpu.memory_space<semaphore_mem>>)
      } else {
      }
      %dma_wait3A_64 = arith.constant 0 : i32
      %dma_wait3A_65 = tpu.memref_slice %arg7[%add3A_46, %dma_wait3A_64] : memref<40x128xi32, #tpu.memory_space<vmem>> -> memref<1x128xi32, #tpu.memory_space<vmem>>
      %dma_wait3A_66 = tpu.memref_squeeze %dma_wait3A_65 : memref<1x128xi32, #tpu.memory_space<vmem>> -> memref<128xi32, #tpu.memory_space<vmem>>
      %dma_wait3A_67 = arith.constant 0 : i32
      %dma_wait3A_68 = arith.constant 0 : i32
      %dma_wait3A_69 = tpu.memref_slice %arg2[%dma_wait3A_67, %dma_wait3A_68] : memref<10000x128xf32, #tpu.memory_space<hbm>> -> memref<10000x128xf32, #tpu.memory_space<hbm>>
      tpu.wait_indirect_dma semaphore(%arg13 : memref<!tpu.dma_semaphore, #tpu.memory_space<semaphore_mem>>) src(%dma_wait3A_69 : memref<10000x128xf32, #tpu.memory_space<hbm>>) dst(%arg10 : memref<128x128xf32, #tpu.memory_space<vmem>>)
      %add3A_70 = arith.constant 1 : i32
      %add3A_71 = arith.addi %mul3A_44, %add3A_70 : i32
      "tpu.region"() ({
        %run_scoped3A = tpu.sem_alloc : memref<!tpu.dma_semaphore, #tpu.memory_space<semaphore_mem>>
        %dma_start3A_73 = arith.constant 0 : i32
        %dma_start3A_74 = tpu.memref_slice %arg8[%add3A_71, %dma_start3A_73] : memref<40x128xi32, #tpu.memory_space<vmem>> -> memref<1x128xi32, #tpu.memory_space<vmem>>
        %dma_start3A_75 = tpu.memref_squeeze %dma_start3A_74 : memref<1x128xi32, #tpu.memory_space<vmem>> -> memref<128xi32, #tpu.memory_space<vmem>>
        %dma_start3A_76 = arith.constant 0 : i32
        %dma_start3A_77 = arith.constant 0 : i32
        %dma_start3A_78 = tpu.memref_slice %arg11[%dma_start3A_76, %dma_start3A_77] : memref<10240x128xf32, #tpu.memory_space<vmem_shared>> -> memref<10240x128xf32, #tpu.memory_space<vmem_shared>>
        tpu.enqueue_indirect_dma source(%arg10 : memref<128x128xf32, #tpu.memory_space<vmem>>) target(%dma_start3A_78 : memref<10240x128xf32, #tpu.memory_space<vmem_shared>>) offsets(%dma_start3A_75 : memref<128xi32, #tpu.memory_space<vmem>>) semaphore(%run_scoped3A : memref<!tpu.dma_semaphore, #tpu.memory_space<semaphore_mem>>) {add = true}
        %dma_wait3A_79 = arith.constant 0 : i32
        %dma_wait3A_80 = tpu.memref_slice %arg8[%add3A_71, %dma_wait3A_79] : memref<40x128xi32, #tpu.memory_space<vmem>> -> memref<1x128xi32, #tpu.memory_space<vmem>>
        %dma_wait3A_81 = tpu.memref_squeeze %dma_wait3A_80 : memref<1x128xi32, #tpu.memory_space<vmem>> -> memref<128xi32, #tpu.memory_space<vmem>>
        %dma_wait3A_82 = arith.constant 0 : i32
        %dma_wait3A_83 = arith.constant 0 : i32
        %dma_wait3A_84 = tpu.memref_slice %arg11[%dma_wait3A_82, %dma_wait3A_83] : memref<10240x128xf32, #tpu.memory_space<vmem_shared>> -> memref<10240x128xf32, #tpu.memory_space<vmem_shared>>
        tpu.wait_indirect_dma semaphore(%run_scoped3A : memref<!tpu.dma_semaphore, #tpu.memory_space<semaphore_mem>>) src(%arg10 : memref<128x128xf32, #tpu.memory_space<vmem>>) dst(%dma_wait3A_84 : memref<10240x128xf32, #tpu.memory_space<vmem_shared>>)
        tpu.yield
      }) : () -> ()
      %scan3A_72 = arith.constant 0 : i32
      scf.yield %scan3A_72 : i32
    }
    %scan3A_34 = arith.constant 20 : i32
    %barrier3A_35 = arith.constant 0 : index
    tpu.barrier barrier_id(%barrier3A_35)
    %eq3A_36 = arith.constant 0 : i32
    %eq3A_37 = arith.cmpi eq, %arg1, %eq3A_36 : i32
    %convert_element_type3A_38 = arith.extui %eq3A_37 : i1 to i32
    %cond3A_39 = arith.constant 0 : i32
    %cond3A_40 = arith.cmpi ne, %convert_element_type3A_38, %cond3A_39 : i32
    scf.if %cond3A_40 {
      "tpu.region"() ({
        %run_scoped3A = tpu.sem_alloc : memref<!tpu.dma_semaphore, #tpu.memory_space<semaphore_mem>>
        %dma_start3A_41 = arith.constant 0 : i32
        %dma_start3A_42 = arith.constant 0 : i32
        %dma_start3A_43 = tpu.memref_slice %arg6[%arg0, %dma_start3A_41, %dma_start3A_42] : memref<2x10240x128xf32, #tpu.memory_space<hbm>> -> memref<1x10240x128xf32, #tpu.memory_space<hbm>>
        %dma_start3A_44 = tpu.memref_squeeze %dma_start3A_43 : memref<1x10240x128xf32, #tpu.memory_space<hbm>> -> memref<10240x128xf32, #tpu.memory_space<hbm>>
        tpu.enqueue_dma source(%arg11 : memref<10240x128xf32, #tpu.memory_space<vmem_shared>>) target(%dma_start3A_44 : memref<10240x128xf32, #tpu.memory_space<hbm>>) target_semaphore(%run_scoped3A : memref<!tpu.dma_semaphore, #tpu.memory_space<semaphore_mem>>)
        %dma_wait3A = arith.constant 0 : i32
        %dma_wait3A_45 = arith.constant 0 : i32
        %dma_wait3A_46 = tpu.memref_slice %arg6[%arg0, %dma_wait3A, %dma_wait3A_45] : memref<2x10240x128xf32, #tpu.memory_space<hbm>> -> memref<1x10240x128xf32, #tpu.memory_space<hbm>>
        %dma_wait3A_47 = tpu.memref_squeeze %dma_wait3A_46 : memref<1x10240x128xf32, #tpu.memory_space<hbm>> -> memref<10240x128xf32, #tpu.memory_space<hbm>>
        tpu.wait_dma2 semaphore(%run_scoped3A : memref<!tpu.dma_semaphore, #tpu.memory_space<semaphore_mem>>) src(%arg11 : memref<10240x128xf32, #tpu.memory_space<vmem_shared>>) dst(%dma_wait3A_47 : memref<10240x128xf32, #tpu.memory_space<hbm>>)
        tpu.yield
      }) : () -> ()
    } else {
    }
    return
  }
}

#map = affine_map<(d0, d1) -> (0, 0)>
#map1 = affine_map<(d0, d1) -> (0, 0, 0)>
module attributes {stable_mosaic.version = 14 : i64} {
  func.func @_deg_body(%arg0: i32, %arg1: i32, %arg2: memref<2560x128xi32, #tpu.memory_space<hbm>>, %arg3: memref<128x128xf32, #tpu.memory_space<hbm>>, %arg4: memref<10240x128xf32, #tpu.memory_space<hbm>>, %arg5: memref<2x10240x128xf32, #tpu.memory_space<hbm>>, %arg6: memref<8x128xi32, #tpu.memory_space<vmem>>, %arg7: memref<128x128xf32, #tpu.memory_space<vmem>>, %arg8: memref<10240x128xf32, #tpu.memory_space<vmem_shared>>, %arg9: memref<!tpu.dma_semaphore, #tpu.memory_space<semaphore_mem>>) attributes {dimension_semantics = [#tpu.dimension_semantics<core_parallel>, #tpu.dimension_semantics<subcore_parallel>], iteration_bounds = array<i64: 2, 16>, scalar_prefetch = 0 : i64, scratch_operands = 4 : i64, tpu.core_type = #tpu.core_type<sc_vector_subcore>, window_params = [{transform_indices = #map}, {transform_indices = #map}, {transform_indices = #map}, {transform_indices = #map1}]} {
    %mul3A = arith.constant 2 : i32
    %mul3A_0 = arith.muli %arg1, %mul3A : i32
    %add3A = arith.addi %mul3A_0, %arg0 : i32
    "tpu.region"() ({
      %run_scoped3A = tpu.sem_alloc : memref<!tpu.dma_semaphore, #tpu.memory_space<semaphore_mem>>
      tpu.enqueue_dma source(%arg3 : memref<128x128xf32, #tpu.memory_space<hbm>>) target(%arg7 : memref<128x128xf32, #tpu.memory_space<vmem>>) target_semaphore(%run_scoped3A : memref<!tpu.dma_semaphore, #tpu.memory_space<semaphore_mem>>)
      tpu.wait_dma2 semaphore(%run_scoped3A : memref<!tpu.dma_semaphore, #tpu.memory_space<semaphore_mem>>) src(%arg3 : memref<128x128xf32, #tpu.memory_space<hbm>>) dst(%arg7 : memref<128x128xf32, #tpu.memory_space<vmem>>)
      tpu.yield
    }) : () -> ()
    %eq3A = arith.constant 0 : i32
    %eq3A_1 = arith.cmpi eq, %arg1, %eq3A : i32
    %convert_element_type3A = arith.extui %eq3A_1 : i1 to i32
    %cond3A = arith.constant 0 : i32
    %cond3A_2 = arith.cmpi ne, %convert_element_type3A, %cond3A : i32
    scf.if %cond3A_2 {
      "tpu.region"() ({
        %run_scoped3A = tpu.sem_alloc : memref<!tpu.dma_semaphore, #tpu.memory_space<semaphore_mem>>
        tpu.enqueue_dma source(%arg4 : memref<10240x128xf32, #tpu.memory_space<hbm>>) target(%arg8 : memref<10240x128xf32, #tpu.memory_space<vmem_shared>>) target_semaphore(%run_scoped3A : memref<!tpu.dma_semaphore, #tpu.memory_space<semaphore_mem>>)
        tpu.wait_dma2 semaphore(%run_scoped3A : memref<!tpu.dma_semaphore, #tpu.memory_space<semaphore_mem>>) src(%arg4 : memref<10240x128xf32, #tpu.memory_space<hbm>>) dst(%arg8 : memref<10240x128xf32, #tpu.memory_space<vmem_shared>>)
        tpu.yield
      }) : () -> ()
    } else {
    }
    %barrier3A = arith.constant 0 : index
    tpu.barrier barrier_id(%barrier3A)
    %mul3A_3 = arith.constant 80 : i32
    %mul3A_4 = arith.muli %add3A, %mul3A_3 : i32
    %scan3A = arith.constant 0 : i32
    %scan3A_5 = arith.constant 0 : i32
    %scan3A_6 = arith.constant 10 : i32
    %scan3A_7 = arith.addi %scan3A_5, %scan3A_6 : i32
    %scan3A_8 = arith.constant 1 : i32
    %scan3A_9 = scf.for %scan3A_17 = %scan3A_5 to %scan3A_7 step %scan3A_8 iter_args(%scan3A_18 = %scan3A) -> (i32)  : i32 {
      %mul3A_19 = arith.constant 8 : i32
      %mul3A_20 = arith.muli %scan3A_17, %mul3A_19 : i32
      %add3A_21 = arith.addi %mul3A_4, %mul3A_20 : i32
      "tpu.region"() ({
        %run_scoped3A = tpu.sem_alloc : memref<!tpu.dma_semaphore, #tpu.memory_space<semaphore_mem>>
        %dma_start3A_133 = arith.constant 0 : i32
        %dma_start3A_134 = tpu.memref_slice %arg2[%add3A_21, %dma_start3A_133] : memref<2560x128xi32, #tpu.memory_space<hbm>> -> memref<8x128xi32, #tpu.memory_space<hbm>>
        %dma_start3A_135 = arith.constant 0 : i32
        %dma_start3A_136 = tpu.memref_slice %arg2[%add3A_21, %dma_start3A_135] : memref<2560x128xi32, #tpu.memory_space<hbm>> -> memref<8x128xi32, #tpu.memory_space<hbm>>
        tpu.enqueue_dma source(%dma_start3A_136 : memref<8x128xi32, #tpu.memory_space<hbm>>) target(%arg6 : memref<8x128xi32, #tpu.memory_space<vmem>>) target_semaphore(%run_scoped3A : memref<!tpu.dma_semaphore, #tpu.memory_space<semaphore_mem>>)
        %dma_wait3A_137 = arith.constant 0 : i32
        %dma_wait3A_138 = tpu.memref_slice %arg2[%add3A_21, %dma_wait3A_137] : memref<2560x128xi32, #tpu.memory_space<hbm>> -> memref<8x128xi32, #tpu.memory_space<hbm>>
        %dma_wait3A_139 = arith.constant 0 : i32
        %dma_wait3A_140 = tpu.memref_slice %arg2[%add3A_21, %dma_wait3A_139] : memref<2560x128xi32, #tpu.memory_space<hbm>> -> memref<8x128xi32, #tpu.memory_space<hbm>>
        tpu.wait_dma2 semaphore(%run_scoped3A : memref<!tpu.dma_semaphore, #tpu.memory_space<semaphore_mem>>) src(%dma_wait3A_140 : memref<8x128xi32, #tpu.memory_space<hbm>>) dst(%arg6 : memref<8x128xi32, #tpu.memory_space<vmem>>)
        tpu.yield
      }) : () -> ()
      %dma_start3A = arith.constant 0 : i32
      %dma_start3A_22 = arith.constant 0 : i32
      %dma_start3A_23 = tpu.memref_slice %arg6[%dma_start3A, %dma_start3A_22] : memref<8x128xi32, #tpu.memory_space<vmem>> -> memref<1x128xi32, #tpu.memory_space<vmem>>
      %dma_start3A_24 = tpu.memref_squeeze %dma_start3A_23 : memref<1x128xi32, #tpu.memory_space<vmem>> -> memref<128xi32, #tpu.memory_space<vmem>>
      %dma_start3A_25 = arith.constant 0 : i32
      %dma_start3A_26 = arith.constant 0 : i32
      %dma_start3A_27 = tpu.memref_slice %arg8[%dma_start3A_25, %dma_start3A_26] : memref<10240x128xf32, #tpu.memory_space<vmem_shared>> -> memref<10240x128xf32, #tpu.memory_space<vmem_shared>>
      tpu.enqueue_indirect_dma source(%arg7 : memref<128x128xf32, #tpu.memory_space<vmem>>) target(%dma_start3A_27 : memref<10240x128xf32, #tpu.memory_space<vmem_shared>>) offsets(%dma_start3A_24 : memref<128xi32, #tpu.memory_space<vmem>>) semaphore(%arg9 : memref<!tpu.dma_semaphore, #tpu.memory_space<semaphore_mem>>) {add = true}
      %dma_start3A_28 = arith.constant 1 : i32
      %dma_start3A_29 = arith.constant 0 : i32
      %dma_start3A_30 = tpu.memref_slice %arg6[%dma_start3A_28, %dma_start3A_29] : memref<8x128xi32, #tpu.memory_space<vmem>> -> memref<1x128xi32, #tpu.memory_space<vmem>>
      %dma_start3A_31 = tpu.memref_squeeze %dma_start3A_30 : memref<1x128xi32, #tpu.memory_space<vmem>> -> memref<128xi32, #tpu.memory_space<vmem>>
      %dma_start3A_32 = arith.constant 0 : i32
      %dma_start3A_33 = arith.constant 0 : i32
      %dma_start3A_34 = tpu.memref_slice %arg8[%dma_start3A_32, %dma_start3A_33] : memref<10240x128xf32, #tpu.memory_space<vmem_shared>> -> memref<10240x128xf32, #tpu.memory_space<vmem_shared>>
      tpu.enqueue_indirect_dma source(%arg7 : memref<128x128xf32, #tpu.memory_space<vmem>>) target(%dma_start3A_34 : memref<10240x128xf32, #tpu.memory_space<vmem_shared>>) offsets(%dma_start3A_31 : memref<128xi32, #tpu.memory_space<vmem>>) semaphore(%arg9 : memref<!tpu.dma_semaphore, #tpu.memory_space<semaphore_mem>>) {add = true}
      %dma_start3A_35 = arith.constant 2 : i32
      %dma_start3A_36 = arith.constant 0 : i32
      %dma_start3A_37 = tpu.memref_slice %arg6[%dma_start3A_35, %dma_start3A_36] : memref<8x128xi32, #tpu.memory_space<vmem>> -> memref<1x128xi32, #tpu.memory_space<vmem>>
      %dma_start3A_38 = tpu.memref_squeeze %dma_start3A_37 : memref<1x128xi32, #tpu.memory_space<vmem>> -> memref<128xi32, #tpu.memory_space<vmem>>
      %dma_start3A_39 = arith.constant 0 : i32
      %dma_start3A_40 = arith.constant 0 : i32
      %dma_start3A_41 = tpu.memref_slice %arg8[%dma_start3A_39, %dma_start3A_40] : memref<10240x128xf32, #tpu.memory_space<vmem_shared>> -> memref<10240x128xf32, #tpu.memory_space<vmem_shared>>
      tpu.enqueue_indirect_dma source(%arg7 : memref<128x128xf32, #tpu.memory_space<vmem>>) target(%dma_start3A_41 : memref<10240x128xf32, #tpu.memory_space<vmem_shared>>) offsets(%dma_start3A_38 : memref<128xi32, #tpu.memory_space<vmem>>) semaphore(%arg9 : memref<!tpu.dma_semaphore, #tpu.memory_space<semaphore_mem>>) {add = true}
      %dma_start3A_42 = arith.constant 3 : i32
      %dma_start3A_43 = arith.constant 0 : i32
      %dma_start3A_44 = tpu.memref_slice %arg6[%dma_start3A_42, %dma_start3A_43] : memref<8x128xi32, #tpu.memory_space<vmem>> -> memref<1x128xi32, #tpu.memory_space<vmem>>
      %dma_start3A_45 = tpu.memref_squeeze %dma_start3A_44 : memref<1x128xi32, #tpu.memory_space<vmem>> -> memref<128xi32, #tpu.memory_space<vmem>>
      %dma_start3A_46 = arith.constant 0 : i32
      %dma_start3A_47 = arith.constant 0 : i32
      %dma_start3A_48 = tpu.memref_slice %arg8[%dma_start3A_46, %dma_start3A_47] : memref<10240x128xf32, #tpu.memory_space<vmem_shared>> -> memref<10240x128xf32, #tpu.memory_space<vmem_shared>>
      tpu.enqueue_indirect_dma source(%arg7 : memref<128x128xf32, #tpu.memory_space<vmem>>) target(%dma_start3A_48 : memref<10240x128xf32, #tpu.memory_space<vmem_shared>>) offsets(%dma_start3A_45 : memref<128xi32, #tpu.memory_space<vmem>>) semaphore(%arg9 : memref<!tpu.dma_semaphore, #tpu.memory_space<semaphore_mem>>) {add = true}
      %dma_start3A_49 = arith.constant 4 : i32
      %dma_start3A_50 = arith.constant 0 : i32
      %dma_start3A_51 = tpu.memref_slice %arg6[%dma_start3A_49, %dma_start3A_50] : memref<8x128xi32, #tpu.memory_space<vmem>> -> memref<1x128xi32, #tpu.memory_space<vmem>>
      %dma_start3A_52 = tpu.memref_squeeze %dma_start3A_51 : memref<1x128xi32, #tpu.memory_space<vmem>> -> memref<128xi32, #tpu.memory_space<vmem>>
      %dma_start3A_53 = arith.constant 0 : i32
      %dma_start3A_54 = arith.constant 0 : i32
      %dma_start3A_55 = tpu.memref_slice %arg8[%dma_start3A_53, %dma_start3A_54] : memref<10240x128xf32, #tpu.memory_space<vmem_shared>> -> memref<10240x128xf32, #tpu.memory_space<vmem_shared>>
      tpu.enqueue_indirect_dma source(%arg7 : memref<128x128xf32, #tpu.memory_space<vmem>>) target(%dma_start3A_55 : memref<10240x128xf32, #tpu.memory_space<vmem_shared>>) offsets(%dma_start3A_52 : memref<128xi32, #tpu.memory_space<vmem>>) semaphore(%arg9 : memref<!tpu.dma_semaphore, #tpu.memory_space<semaphore_mem>>) {add = true}
      %dma_start3A_56 = arith.constant 5 : i32
      %dma_start3A_57 = arith.constant 0 : i32
      %dma_start3A_58 = tpu.memref_slice %arg6[%dma_start3A_56, %dma_start3A_57] : memref<8x128xi32, #tpu.memory_space<vmem>> -> memref<1x128xi32, #tpu.memory_space<vmem>>
      %dma_start3A_59 = tpu.memref_squeeze %dma_start3A_58 : memref<1x128xi32, #tpu.memory_space<vmem>> -> memref<128xi32, #tpu.memory_space<vmem>>
      %dma_start3A_60 = arith.constant 0 : i32
      %dma_start3A_61 = arith.constant 0 : i32
      %dma_start3A_62 = tpu.memref_slice %arg8[%dma_start3A_60, %dma_start3A_61] : memref<10240x128xf32, #tpu.memory_space<vmem_shared>> -> memref<10240x128xf32, #tpu.memory_space<vmem_shared>>
      tpu.enqueue_indirect_dma source(%arg7 : memref<128x128xf32, #tpu.memory_space<vmem>>) target(%dma_start3A_62 : memref<10240x128xf32, #tpu.memory_space<vmem_shared>>) offsets(%dma_start3A_59 : memref<128xi32, #tpu.memory_space<vmem>>) semaphore(%arg9 : memref<!tpu.dma_semaphore, #tpu.memory_space<semaphore_mem>>) {add = true}
      %dma_start3A_63 = arith.constant 6 : i32
      %dma_start3A_64 = arith.constant 0 : i32
      %dma_start3A_65 = tpu.memref_slice %arg6[%dma_start3A_63, %dma_start3A_64] : memref<8x128xi32, #tpu.memory_space<vmem>> -> memref<1x128xi32, #tpu.memory_space<vmem>>
      %dma_start3A_66 = tpu.memref_squeeze %dma_start3A_65 : memref<1x128xi32, #tpu.memory_space<vmem>> -> memref<128xi32, #tpu.memory_space<vmem>>
      %dma_start3A_67 = arith.constant 0 : i32
      %dma_start3A_68 = arith.constant 0 : i32
      %dma_start3A_69 = tpu.memref_slice %arg8[%dma_start3A_67, %dma_start3A_68] : memref<10240x128xf32, #tpu.memory_space<vmem_shared>> -> memref<10240x128xf32, #tpu.memory_space<vmem_shared>>
      tpu.enqueue_indirect_dma source(%arg7 : memref<128x128xf32, #tpu.memory_space<vmem>>) target(%dma_start3A_69 : memref<10240x128xf32, #tpu.memory_space<vmem_shared>>) offsets(%dma_start3A_66 : memref<128xi32, #tpu.memory_space<vmem>>) semaphore(%arg9 : memref<!tpu.dma_semaphore, #tpu.memory_space<semaphore_mem>>) {add = true}
      %dma_start3A_70 = arith.constant 7 : i32
      %dma_start3A_71 = arith.constant 0 : i32
      %dma_start3A_72 = tpu.memref_slice %arg6[%dma_start3A_70, %dma_start3A_71] : memref<8x128xi32, #tpu.memory_space<vmem>> -> memref<1x128xi32, #tpu.memory_space<vmem>>
      %dma_start3A_73 = tpu.memref_squeeze %dma_start3A_72 : memref<1x128xi32, #tpu.memory_space<vmem>> -> memref<128xi32, #tpu.memory_space<vmem>>
      %dma_start3A_74 = arith.constant 0 : i32
      %dma_start3A_75 = arith.constant 0 : i32
      %dma_start3A_76 = tpu.memref_slice %arg8[%dma_start3A_74, %dma_start3A_75] : memref<10240x128xf32, #tpu.memory_space<vmem_shared>> -> memref<10240x128xf32, #tpu.memory_space<vmem_shared>>
      tpu.enqueue_indirect_dma source(%arg7 : memref<128x128xf32, #tpu.memory_space<vmem>>) target(%dma_start3A_76 : memref<10240x128xf32, #tpu.memory_space<vmem_shared>>) offsets(%dma_start3A_73 : memref<128xi32, #tpu.memory_space<vmem>>) semaphore(%arg9 : memref<!tpu.dma_semaphore, #tpu.memory_space<semaphore_mem>>) {add = true}
      %dma_wait3A = arith.constant 0 : i32
      %dma_wait3A_77 = arith.constant 0 : i32
      %dma_wait3A_78 = tpu.memref_slice %arg6[%dma_wait3A, %dma_wait3A_77] : memref<8x128xi32, #tpu.memory_space<vmem>> -> memref<1x128xi32, #tpu.memory_space<vmem>>
      %dma_wait3A_79 = tpu.memref_squeeze %dma_wait3A_78 : memref<1x128xi32, #tpu.memory_space<vmem>> -> memref<128xi32, #tpu.memory_space<vmem>>
      %dma_wait3A_80 = arith.constant 0 : i32
      %dma_wait3A_81 = arith.constant 0 : i32
      %dma_wait3A_82 = tpu.memref_slice %arg8[%dma_wait3A_80, %dma_wait3A_81] : memref<10240x128xf32, #tpu.memory_space<vmem_shared>> -> memref<10240x128xf32, #tpu.memory_space<vmem_shared>>
      tpu.wait_indirect_dma semaphore(%arg9 : memref<!tpu.dma_semaphore, #tpu.memory_space<semaphore_mem>>) src(%arg7 : memref<128x128xf32, #tpu.memory_space<vmem>>) dst(%dma_wait3A_82 : memref<10240x128xf32, #tpu.memory_space<vmem_shared>>)
      %dma_wait3A_83 = arith.constant 1 : i32
      %dma_wait3A_84 = arith.constant 0 : i32
      %dma_wait3A_85 = tpu.memref_slice %arg6[%dma_wait3A_83, %dma_wait3A_84] : memref<8x128xi32, #tpu.memory_space<vmem>> -> memref<1x128xi32, #tpu.memory_space<vmem>>
      %dma_wait3A_86 = tpu.memref_squeeze %dma_wait3A_85 : memref<1x128xi32, #tpu.memory_space<vmem>> -> memref<128xi32, #tpu.memory_space<vmem>>
      %dma_wait3A_87 = arith.constant 0 : i32
      %dma_wait3A_88 = arith.constant 0 : i32
      %dma_wait3A_89 = tpu.memref_slice %arg8[%dma_wait3A_87, %dma_wait3A_88] : memref<10240x128xf32, #tpu.memory_space<vmem_shared>> -> memref<10240x128xf32, #tpu.memory_space<vmem_shared>>
      tpu.wait_indirect_dma semaphore(%arg9 : memref<!tpu.dma_semaphore, #tpu.memory_space<semaphore_mem>>) src(%arg7 : memref<128x128xf32, #tpu.memory_space<vmem>>) dst(%dma_wait3A_89 : memref<10240x128xf32, #tpu.memory_space<vmem_shared>>)
      %dma_wait3A_90 = arith.constant 2 : i32
      %dma_wait3A_91 = arith.constant 0 : i32
      %dma_wait3A_92 = tpu.memref_slice %arg6[%dma_wait3A_90, %dma_wait3A_91] : memref<8x128xi32, #tpu.memory_space<vmem>> -> memref<1x128xi32, #tpu.memory_space<vmem>>
      %dma_wait3A_93 = tpu.memref_squeeze %dma_wait3A_92 : memref<1x128xi32, #tpu.memory_space<vmem>> -> memref<128xi32, #tpu.memory_space<vmem>>
      %dma_wait3A_94 = arith.constant 0 : i32
      %dma_wait3A_95 = arith.constant 0 : i32
      %dma_wait3A_96 = tpu.memref_slice %arg8[%dma_wait3A_94, %dma_wait3A_95] : memref<10240x128xf32, #tpu.memory_space<vmem_shared>> -> memref<10240x128xf32, #tpu.memory_space<vmem_shared>>
      tpu.wait_indirect_dma semaphore(%arg9 : memref<!tpu.dma_semaphore, #tpu.memory_space<semaphore_mem>>) src(%arg7 : memref<128x128xf32, #tpu.memory_space<vmem>>) dst(%dma_wait3A_96 : memref<10240x128xf32, #tpu.memory_space<vmem_shared>>)
      %dma_wait3A_97 = arith.constant 3 : i32
      %dma_wait3A_98 = arith.constant 0 : i32
      %dma_wait3A_99 = tpu.memref_slice %arg6[%dma_wait3A_97, %dma_wait3A_98] : memref<8x128xi32, #tpu.memory_space<vmem>> -> memref<1x128xi32, #tpu.memory_space<vmem>>
      %dma_wait3A_100 = tpu.memref_squeeze %dma_wait3A_99 : memref<1x128xi32, #tpu.memory_space<vmem>> -> memref<128xi32, #tpu.memory_space<vmem>>
      %dma_wait3A_101 = arith.constant 0 : i32
      %dma_wait3A_102 = arith.constant 0 : i32
      %dma_wait3A_103 = tpu.memref_slice %arg8[%dma_wait3A_101, %dma_wait3A_102] : memref<10240x128xf32, #tpu.memory_space<vmem_shared>> -> memref<10240x128xf32, #tpu.memory_space<vmem_shared>>
      tpu.wait_indirect_dma semaphore(%arg9 : memref<!tpu.dma_semaphore, #tpu.memory_space<semaphore_mem>>) src(%arg7 : memref<128x128xf32, #tpu.memory_space<vmem>>) dst(%dma_wait3A_103 : memref<10240x128xf32, #tpu.memory_space<vmem_shared>>)
      %dma_wait3A_104 = arith.constant 4 : i32
      %dma_wait3A_105 = arith.constant 0 : i32
      %dma_wait3A_106 = tpu.memref_slice %arg6[%dma_wait3A_104, %dma_wait3A_105] : memref<8x128xi32, #tpu.memory_space<vmem>> -> memref<1x128xi32, #tpu.memory_space<vmem>>
      %dma_wait3A_107 = tpu.memref_squeeze %dma_wait3A_106 : memref<1x128xi32, #tpu.memory_space<vmem>> -> memref<128xi32, #tpu.memory_space<vmem>>
      %dma_wait3A_108 = arith.constant 0 : i32
      %dma_wait3A_109 = arith.constant 0 : i32
      %dma_wait3A_110 = tpu.memref_slice %arg8[%dma_wait3A_108, %dma_wait3A_109] : memref<10240x128xf32, #tpu.memory_space<vmem_shared>> -> memref<10240x128xf32, #tpu.memory_space<vmem_shared>>
      tpu.wait_indirect_dma semaphore(%arg9 : memref<!tpu.dma_semaphore, #tpu.memory_space<semaphore_mem>>) src(%arg7 : memref<128x128xf32, #tpu.memory_space<vmem>>) dst(%dma_wait3A_110 : memref<10240x128xf32, #tpu.memory_space<vmem_shared>>)
      %dma_wait3A_111 = arith.constant 5 : i32
      %dma_wait3A_112 = arith.constant 0 : i32
      %dma_wait3A_113 = tpu.memref_slice %arg6[%dma_wait3A_111, %dma_wait3A_112] : memref<8x128xi32, #tpu.memory_space<vmem>> -> memref<1x128xi32, #tpu.memory_space<vmem>>
      %dma_wait3A_114 = tpu.memref_squeeze %dma_wait3A_113 : memref<1x128xi32, #tpu.memory_space<vmem>> -> memref<128xi32, #tpu.memory_space<vmem>>
      %dma_wait3A_115 = arith.constant 0 : i32
      %dma_wait3A_116 = arith.constant 0 : i32
      %dma_wait3A_117 = tpu.memref_slice %arg8[%dma_wait3A_115, %dma_wait3A_116] : memref<10240x128xf32, #tpu.memory_space<vmem_shared>> -> memref<10240x128xf32, #tpu.memory_space<vmem_shared>>
      tpu.wait_indirect_dma semaphore(%arg9 : memref<!tpu.dma_semaphore, #tpu.memory_space<semaphore_mem>>) src(%arg7 : memref<128x128xf32, #tpu.memory_space<vmem>>) dst(%dma_wait3A_117 : memref<10240x128xf32, #tpu.memory_space<vmem_shared>>)
      %dma_wait3A_118 = arith.constant 6 : i32
      %dma_wait3A_119 = arith.constant 0 : i32
      %dma_wait3A_120 = tpu.memref_slice %arg6[%dma_wait3A_118, %dma_wait3A_119] : memref<8x128xi32, #tpu.memory_space<vmem>> -> memref<1x128xi32, #tpu.memory_space<vmem>>
      %dma_wait3A_121 = tpu.memref_squeeze %dma_wait3A_120 : memref<1x128xi32, #tpu.memory_space<vmem>> -> memref<128xi32, #tpu.memory_space<vmem>>
      %dma_wait3A_122 = arith.constant 0 : i32
      %dma_wait3A_123 = arith.constant 0 : i32
      %dma_wait3A_124 = tpu.memref_slice %arg8[%dma_wait3A_122, %dma_wait3A_123] : memref<10240x128xf32, #tpu.memory_space<vmem_shared>> -> memref<10240x128xf32, #tpu.memory_space<vmem_shared>>
      tpu.wait_indirect_dma semaphore(%arg9 : memref<!tpu.dma_semaphore, #tpu.memory_space<semaphore_mem>>) src(%arg7 : memref<128x128xf32, #tpu.memory_space<vmem>>) dst(%dma_wait3A_124 : memref<10240x128xf32, #tpu.memory_space<vmem_shared>>)
      %dma_wait3A_125 = arith.constant 7 : i32
      %dma_wait3A_126 = arith.constant 0 : i32
      %dma_wait3A_127 = tpu.memref_slice %arg6[%dma_wait3A_125, %dma_wait3A_126] : memref<8x128xi32, #tpu.memory_space<vmem>> -> memref<1x128xi32, #tpu.memory_space<vmem>>
      %dma_wait3A_128 = tpu.memref_squeeze %dma_wait3A_127 : memref<1x128xi32, #tpu.memory_space<vmem>> -> memref<128xi32, #tpu.memory_space<vmem>>
      %dma_wait3A_129 = arith.constant 0 : i32
      %dma_wait3A_130 = arith.constant 0 : i32
      %dma_wait3A_131 = tpu.memref_slice %arg8[%dma_wait3A_129, %dma_wait3A_130] : memref<10240x128xf32, #tpu.memory_space<vmem_shared>> -> memref<10240x128xf32, #tpu.memory_space<vmem_shared>>
      tpu.wait_indirect_dma semaphore(%arg9 : memref<!tpu.dma_semaphore, #tpu.memory_space<semaphore_mem>>) src(%arg7 : memref<128x128xf32, #tpu.memory_space<vmem>>) dst(%dma_wait3A_131 : memref<10240x128xf32, #tpu.memory_space<vmem_shared>>)
      %scan3A_132 = arith.constant 0 : i32
      scf.yield %scan3A_132 : i32
    }
    %scan3A_10 = arith.constant 10 : i32
    %barrier3A_11 = arith.constant 0 : index
    tpu.barrier barrier_id(%barrier3A_11)
    %eq3A_12 = arith.constant 0 : i32
    %eq3A_13 = arith.cmpi eq, %arg1, %eq3A_12 : i32
    %convert_element_type3A_14 = arith.extui %eq3A_13 : i1 to i32
    %cond3A_15 = arith.constant 0 : i32
    %cond3A_16 = arith.cmpi ne, %convert_element_type3A_14, %cond3A_15 : i32
    scf.if %cond3A_16 {
      "tpu.region"() ({
        %run_scoped3A = tpu.sem_alloc : memref<!tpu.dma_semaphore, #tpu.memory_space<semaphore_mem>>
        %dma_start3A = arith.constant 0 : i32
        %dma_start3A_17 = arith.constant 0 : i32
        %dma_start3A_18 = tpu.memref_slice %arg5[%arg0, %dma_start3A, %dma_start3A_17] : memref<2x10240x128xf32, #tpu.memory_space<hbm>> -> memref<1x10240x128xf32, #tpu.memory_space<hbm>>
        %dma_start3A_19 = tpu.memref_squeeze %dma_start3A_18 : memref<1x10240x128xf32, #tpu.memory_space<hbm>> -> memref<10240x128xf32, #tpu.memory_space<hbm>>
        tpu.enqueue_dma source(%arg8 : memref<10240x128xf32, #tpu.memory_space<vmem_shared>>) target(%dma_start3A_19 : memref<10240x128xf32, #tpu.memory_space<hbm>>) target_semaphore(%run_scoped3A : memref<!tpu.dma_semaphore, #tpu.memory_space<semaphore_mem>>)
        %dma_wait3A = arith.constant 0 : i32
        %dma_wait3A_20 = arith.constant 0 : i32
        %dma_wait3A_21 = tpu.memref_slice %arg5[%arg0, %dma_wait3A, %dma_wait3A_20] : memref<2x10240x128xf32, #tpu.memory_space<hbm>> -> memref<1x10240x128xf32, #tpu.memory_space<hbm>>
        %dma_wait3A_22 = tpu.memref_squeeze %dma_wait3A_21 : memref<1x10240x128xf32, #tpu.memory_space<hbm>> -> memref<10240x128xf32, #tpu.memory_space<hbm>>
        tpu.wait_dma2 semaphore(%run_scoped3A : memref<!tpu.dma_semaphore, #tpu.memory_space<semaphore_mem>>) src(%arg8 : memref<10240x128xf32, #tpu.memory_space<vmem_shared>>) dst(%dma_wait3A_22 : memref<10240x128xf32, #tpu.memory_space<hbm>>)
        tpu.yield
      }) : () -> ()
    } else {
    }
    return
  }
}

#map = affine_map<(d0, d1) -> (0, 0)>
#map1 = affine_map<(d0, d1) -> (0, 0, 0)>
module attributes {stable_mosaic.version = 14 : i64} {
  func.func @_edge_body(%arg0: i32, %arg1: i32, %arg2: memref<10000x128xf32, #tpu.memory_space<hbm>>, %arg3: memref<2560x128xi32, #tpu.memory_space<hbm>>, %arg4: memref<2560x128xi32, #tpu.memory_space<hbm>>, %arg5: memref<10240x128xf32, #tpu.memory_space<hbm>>, %arg6: memref<2x10240x128xf32, #tpu.memory_space<hbm>>, %arg7: memref<40x128xi32, #tpu.memory_space<vmem>>, %arg8: memref<40x128xi32, #tpu.memory_space<vmem>>, %arg9: memref<128x128xf32, #tpu.memory_space<vmem>>, %arg10: memref<128x128xf32, #tpu.memory_space<vmem>>, %arg11: memref<10240x128xf32, #tpu.memory_space<vmem_shared>>, %arg12: memref<!tpu.dma_semaphore, #tpu.memory_space<semaphore_mem>>, %arg13: memref<!tpu.dma_semaphore, #tpu.memory_space<semaphore_mem>>) attributes {dimension_semantics = [#tpu.dimension_semantics<core_parallel>, #tpu.dimension_semantics<subcore_parallel>], iteration_bounds = array<i64: 2, 16>, scalar_prefetch = 0 : i64, scratch_operands = 7 : i64, tpu.core_type = #tpu.core_type<sc_vector_subcore>, window_params = [{transform_indices = #map}, {transform_indices = #map}, {transform_indices = #map}, {transform_indices = #map}, {transform_indices = #map1}]} {
    %mul3A = arith.constant 2 : i32
    %mul3A_0 = arith.muli %arg1, %mul3A : i32
    %add3A = arith.addi %mul3A_0, %arg0 : i32
    %eq3A = arith.constant 0 : i32
    %eq3A_1 = arith.cmpi eq, %arg1, %eq3A : i32
    %convert_element_type3A = arith.extui %eq3A_1 : i1 to i32
    %cond3A = arith.constant 0 : i32
    %cond3A_2 = arith.cmpi ne, %convert_element_type3A, %cond3A : i32
    scf.if %cond3A_2 {
      "tpu.region"() ({
        %run_scoped3A = tpu.sem_alloc : memref<!tpu.dma_semaphore, #tpu.memory_space<semaphore_mem>>
        tpu.enqueue_dma source(%arg5 : memref<10240x128xf32, #tpu.memory_space<hbm>>) target(%arg11 : memref<10240x128xf32, #tpu.memory_space<vmem_shared>>) target_semaphore(%run_scoped3A : memref<!tpu.dma_semaphore, #tpu.memory_space<semaphore_mem>>)
        tpu.wait_dma2 semaphore(%run_scoped3A : memref<!tpu.dma_semaphore, #tpu.memory_space<semaphore_mem>>) src(%arg5 : memref<10240x128xf32, #tpu.memory_space<hbm>>) dst(%arg11 : memref<10240x128xf32, #tpu.memory_space<vmem_shared>>)
        tpu.yield
      }) : () -> ()
    } else {
    }
    %barrier3A = arith.constant 0 : index
    tpu.barrier barrier_id(%barrier3A)
    %mul3A_3 = arith.constant 80 : i32
    %mul3A_4 = arith.muli %add3A, %mul3A_3 : i32
    %add3A_5 = arith.constant 0 : i32
    %add3A_6 = arith.addi %mul3A_4, %add3A_5 : i32
    "tpu.region"() ({
      %run_scoped3A = tpu.sem_alloc : memref<!tpu.dma_semaphore, #tpu.memory_space<semaphore_mem>>
      %dma_start3A_41 = arith.constant 0 : i32
      %dma_start3A_42 = tpu.memref_slice %arg3[%add3A_6, %dma_start3A_41] : memref<2560x128xi32, #tpu.memory_space<hbm>> -> memref<40x128xi32, #tpu.memory_space<hbm>>
      %dma_start3A_43 = arith.constant 0 : i32
      %dma_start3A_44 = tpu.memref_slice %arg3[%add3A_6, %dma_start3A_43] : memref<2560x128xi32, #tpu.memory_space<hbm>> -> memref<40x128xi32, #tpu.memory_space<hbm>>
      tpu.enqueue_dma source(%dma_start3A_44 : memref<40x128xi32, #tpu.memory_space<hbm>>) target(%arg7 : memref<40x128xi32, #tpu.memory_space<vmem>>) target_semaphore(%run_scoped3A : memref<!tpu.dma_semaphore, #tpu.memory_space<semaphore_mem>>)
      %dma_wait3A = arith.constant 0 : i32
      %dma_wait3A_45 = tpu.memref_slice %arg3[%add3A_6, %dma_wait3A] : memref<2560x128xi32, #tpu.memory_space<hbm>> -> memref<40x128xi32, #tpu.memory_space<hbm>>
      %dma_wait3A_46 = arith.constant 0 : i32
      %dma_wait3A_47 = tpu.memref_slice %arg3[%add3A_6, %dma_wait3A_46] : memref<2560x128xi32, #tpu.memory_space<hbm>> -> memref<40x128xi32, #tpu.memory_space<hbm>>
      tpu.wait_dma2 semaphore(%run_scoped3A : memref<!tpu.dma_semaphore, #tpu.memory_space<semaphore_mem>>) src(%dma_wait3A_47 : memref<40x128xi32, #tpu.memory_space<hbm>>) dst(%arg7 : memref<40x128xi32, #tpu.memory_space<vmem>>)
      tpu.yield
    }) : () -> ()
    "tpu.region"() ({
      %run_scoped3A = tpu.sem_alloc : memref<!tpu.dma_semaphore, #tpu.memory_space<semaphore_mem>>
      %dma_start3A_41 = arith.constant 0 : i32
      %dma_start3A_42 = tpu.memref_slice %arg4[%add3A_6, %dma_start3A_41] : memref<2560x128xi32, #tpu.memory_space<hbm>> -> memref<40x128xi32, #tpu.memory_space<hbm>>
      %dma_start3A_43 = arith.constant 0 : i32
      %dma_start3A_44 = tpu.memref_slice %arg4[%add3A_6, %dma_start3A_43] : memref<2560x128xi32, #tpu.memory_space<hbm>> -> memref<40x128xi32, #tpu.memory_space<hbm>>
      tpu.enqueue_dma source(%dma_start3A_44 : memref<40x128xi32, #tpu.memory_space<hbm>>) target(%arg8 : memref<40x128xi32, #tpu.memory_space<vmem>>) target_semaphore(%run_scoped3A : memref<!tpu.dma_semaphore, #tpu.memory_space<semaphore_mem>>)
      %dma_wait3A = arith.constant 0 : i32
      %dma_wait3A_45 = tpu.memref_slice %arg4[%add3A_6, %dma_wait3A] : memref<2560x128xi32, #tpu.memory_space<hbm>> -> memref<40x128xi32, #tpu.memory_space<hbm>>
      %dma_wait3A_46 = arith.constant 0 : i32
      %dma_wait3A_47 = tpu.memref_slice %arg4[%add3A_6, %dma_wait3A_46] : memref<2560x128xi32, #tpu.memory_space<hbm>> -> memref<40x128xi32, #tpu.memory_space<hbm>>
      tpu.wait_dma2 semaphore(%run_scoped3A : memref<!tpu.dma_semaphore, #tpu.memory_space<semaphore_mem>>) src(%dma_wait3A_47 : memref<40x128xi32, #tpu.memory_space<hbm>>) dst(%arg8 : memref<40x128xi32, #tpu.memory_space<vmem>>)
      tpu.yield
    }) : () -> ()
    %dma_start3A = arith.constant 0 : i32
    %dma_start3A_7 = arith.constant 0 : i32
    %dma_start3A_8 = tpu.memref_slice %arg7[%dma_start3A, %dma_start3A_7] : memref<40x128xi32, #tpu.memory_space<vmem>> -> memref<1x128xi32, #tpu.memory_space<vmem>>
    %dma_start3A_9 = tpu.memref_squeeze %dma_start3A_8 : memref<1x128xi32, #tpu.memory_space<vmem>> -> memref<128xi32, #tpu.memory_space<vmem>>
    %dma_start3A_10 = arith.constant 0 : i32
    %dma_start3A_11 = arith.constant 0 : i32
    %dma_start3A_12 = tpu.memref_slice %arg2[%dma_start3A_10, %dma_start3A_11] : memref<10000x128xf32, #tpu.memory_space<hbm>> -> memref<10000x128xf32, #tpu.memory_space<hbm>>
    tpu.enqueue_indirect_dma source(%dma_start3A_12 : memref<10000x128xf32, #tpu.memory_space<hbm>>) target(%arg9 : memref<128x128xf32, #tpu.memory_space<vmem>>) offsets(%dma_start3A_9 : memref<128xi32, #tpu.memory_space<vmem>>) semaphore(%arg12 : memref<!tpu.dma_semaphore, #tpu.memory_space<semaphore_mem>>)
    %scan3A = arith.constant 0 : i32
    %scan3A_13 = arith.constant 0 : i32
    %scan3A_14 = arith.constant 20 : i32
    %scan3A_15 = arith.addi %scan3A_13, %scan3A_14 : i32
    %scan3A_16 = arith.constant 1 : i32
    %scan3A_17 = scf.for %scan3A_41 = %scan3A_13 to %scan3A_15 step %scan3A_16 iter_args(%scan3A_42 = %scan3A) -> (i32)  : i32 {
      %mul3A_43 = arith.constant 2 : i32
      %mul3A_44 = arith.muli %mul3A_43, %scan3A_41 : i32
      %add3A_45 = arith.constant 1 : i32
      %add3A_46 = arith.addi %mul3A_44, %add3A_45 : i32
      %dma_start3A_47 = arith.constant 0 : i32
      %dma_start3A_48 = tpu.memref_slice %arg7[%add3A_46, %dma_start3A_47] : memref<40x128xi32, #tpu.memory_space<vmem>> -> memref<1x128xi32, #tpu.memory_space<vmem>>
      %dma_start3A_49 = tpu.memref_squeeze %dma_start3A_48 : memref<1x128xi32, #tpu.memory_space<vmem>> -> memref<128xi32, #tpu.memory_space<vmem>>
      %dma_start3A_50 = arith.constant 0 : i32
      %dma_start3A_51 = arith.constant 0 : i32
      %dma_start3A_52 = tpu.memref_slice %arg2[%dma_start3A_50, %dma_start3A_51] : memref<10000x128xf32, #tpu.memory_space<hbm>> -> memref<10000x128xf32, #tpu.memory_space<hbm>>
      tpu.enqueue_indirect_dma source(%dma_start3A_52 : memref<10000x128xf32, #tpu.memory_space<hbm>>) target(%arg10 : memref<128x128xf32, #tpu.memory_space<vmem>>) offsets(%dma_start3A_49 : memref<128xi32, #tpu.memory_space<vmem>>) semaphore(%arg13 : memref<!tpu.dma_semaphore, #tpu.memory_space<semaphore_mem>>)
      %dma_wait3A = arith.constant 0 : i32
      %dma_wait3A_53 = tpu.memref_slice %arg7[%mul3A_44, %dma_wait3A] : memref<40x128xi32, #tpu.memory_space<vmem>> -> memref<1x128xi32, #tpu.memory_space<vmem>>
      %dma_wait3A_54 = tpu.memref_squeeze %dma_wait3A_53 : memref<1x128xi32, #tpu.memory_space<vmem>> -> memref<128xi32, #tpu.memory_space<vmem>>
      %dma_wait3A_55 = arith.constant 0 : i32
      %dma_wait3A_56 = arith.constant 0 : i32
      %dma_wait3A_57 = tpu.memref_slice %arg2[%dma_wait3A_55, %dma_wait3A_56] : memref<10000x128xf32, #tpu.memory_space<hbm>> -> memref<10000x128xf32, #tpu.memory_space<hbm>>
      tpu.wait_indirect_dma semaphore(%arg12 : memref<!tpu.dma_semaphore, #tpu.memory_space<semaphore_mem>>) src(%dma_wait3A_57 : memref<10000x128xf32, #tpu.memory_space<hbm>>) dst(%arg9 : memref<128x128xf32, #tpu.memory_space<vmem>>)
      "tpu.region"() ({
        %run_scoped3A = tpu.sem_alloc : memref<!tpu.dma_semaphore, #tpu.memory_space<semaphore_mem>>
        %dma_start3A_73 = arith.constant 0 : i32
        %dma_start3A_74 = tpu.memref_slice %arg8[%mul3A_44, %dma_start3A_73] : memref<40x128xi32, #tpu.memory_space<vmem>> -> memref<1x128xi32, #tpu.memory_space<vmem>>
        %dma_start3A_75 = tpu.memref_squeeze %dma_start3A_74 : memref<1x128xi32, #tpu.memory_space<vmem>> -> memref<128xi32, #tpu.memory_space<vmem>>
        %dma_start3A_76 = arith.constant 0 : i32
        %dma_start3A_77 = arith.constant 0 : i32
        %dma_start3A_78 = tpu.memref_slice %arg11[%dma_start3A_76, %dma_start3A_77] : memref<10240x128xf32, #tpu.memory_space<vmem_shared>> -> memref<10240x128xf32, #tpu.memory_space<vmem_shared>>
        tpu.enqueue_indirect_dma source(%arg9 : memref<128x128xf32, #tpu.memory_space<vmem>>) target(%dma_start3A_78 : memref<10240x128xf32, #tpu.memory_space<vmem_shared>>) offsets(%dma_start3A_75 : memref<128xi32, #tpu.memory_space<vmem>>) semaphore(%run_scoped3A : memref<!tpu.dma_semaphore, #tpu.memory_space<semaphore_mem>>) {add = true}
        %dma_wait3A_79 = arith.constant 0 : i32
        %dma_wait3A_80 = tpu.memref_slice %arg8[%mul3A_44, %dma_wait3A_79] : memref<40x128xi32, #tpu.memory_space<vmem>> -> memref<1x128xi32, #tpu.memory_space<vmem>>
        %dma_wait3A_81 = tpu.memref_squeeze %dma_wait3A_80 : memref<1x128xi32, #tpu.memory_space<vmem>> -> memref<128xi32, #tpu.memory_space<vmem>>
        %dma_wait3A_82 = arith.constant 0 : i32
        %dma_wait3A_83 = arith.constant 0 : i32
        %dma_wait3A_84 = tpu.memref_slice %arg11[%dma_wait3A_82, %dma_wait3A_83] : memref<10240x128xf32, #tpu.memory_space<vmem_shared>> -> memref<10240x128xf32, #tpu.memory_space<vmem_shared>>
        tpu.wait_indirect_dma semaphore(%run_scoped3A : memref<!tpu.dma_semaphore, #tpu.memory_space<semaphore_mem>>) src(%arg9 : memref<128x128xf32, #tpu.memory_space<vmem>>) dst(%dma_wait3A_84 : memref<10240x128xf32, #tpu.memory_space<vmem_shared>>)
        tpu.yield
      }) : () -> ()
      %add3A_58 = arith.constant 2 : i32
      %add3A_59 = arith.addi %mul3A_44, %add3A_58 : i32
      %lt3A = arith.constant 40 : i32
      %lt3A_60 = arith.cmpi slt, %add3A_59, %lt3A : i32
      %convert_element_type3A_61 = arith.extui %lt3A_60 : i1 to i32
      %cond3A_62 = arith.constant 0 : i32
      %cond3A_63 = arith.cmpi ne, %convert_element_type3A_61, %cond3A_62 : i32
      scf.if %cond3A_63 {
        %add3A_73 = arith.constant 2 : i32
        %add3A_74 = arith.addi %mul3A_44, %add3A_73 : i32
        %dma_start3A_75 = arith.constant 0 : i32
        %dma_start3A_76 = tpu.memref_slice %arg7[%add3A_74, %dma_start3A_75] : memref<40x128xi32, #tpu.memory_space<vmem>> -> memref<1x128xi32, #tpu.memory_space<vmem>>
        %dma_start3A_77 = tpu.memref_squeeze %dma_start3A_76 : memref<1x128xi32, #tpu.memory_space<vmem>> -> memref<128xi32, #tpu.memory_space<vmem>>
        %dma_start3A_78 = arith.constant 0 : i32
        %dma_start3A_79 = arith.constant 0 : i32
        %dma_start3A_80 = tpu.memref_slice %arg2[%dma_start3A_78, %dma_start3A_79] : memref<10000x128xf32, #tpu.memory_space<hbm>> -> memref<10000x128xf32, #tpu.memory_space<hbm>>
        tpu.enqueue_indirect_dma source(%dma_start3A_80 : memref<10000x128xf32, #tpu.memory_space<hbm>>) target(%arg9 : memref<128x128xf32, #tpu.memory_space<vmem>>) offsets(%dma_start3A_77 : memref<128xi32, #tpu.memory_space<vmem>>) semaphore(%arg12 : memref<!tpu.dma_semaphore, #tpu.memory_space<semaphore_mem>>)
      } else {
      }
      %dma_wait3A_64 = arith.constant 0 : i32
      %dma_wait3A_65 = tpu.memref_slice %arg7[%add3A_46, %dma_wait3A_64] : memref<40x128xi32, #tpu.memory_space<vmem>> -> memref<1x128xi32, #tpu.memory_space<vmem>>
      %dma_wait3A_66 = tpu.memref_squeeze %dma_wait3A_65 : memref<1x128xi32, #tpu.memory_space<vmem>> -> memref<128xi32, #tpu.memory_space<vmem>>
      %dma_wait3A_67 = arith.constant 0 : i32
      %dma_wait3A_68 = arith.constant 0 : i32
      %dma_wait3A_69 = tpu.memref_slice %arg2[%dma_wait3A_67, %dma_wait3A_68] : memref<10000x128xf32, #tpu.memory_space<hbm>> -> memref<10000x128xf32, #tpu.memory_space<hbm>>
      tpu.wait_indirect_dma semaphore(%arg13 : memref<!tpu.dma_semaphore, #tpu.memory_space<semaphore_mem>>) src(%dma_wait3A_69 : memref<10000x128xf32, #tpu.memory_space<hbm>>) dst(%arg10 : memref<128x128xf32, #tpu.memory_space<vmem>>)
      %add3A_70 = arith.constant 1 : i32
      %add3A_71 = arith.addi %mul3A_44, %add3A_70 : i32
      "tpu.region"() ({
        %run_scoped3A = tpu.sem_alloc : memref<!tpu.dma_semaphore, #tpu.memory_space<semaphore_mem>>
        %dma_start3A_73 = arith.constant 0 : i32
        %dma_start3A_74 = tpu.memref_slice %arg8[%add3A_71, %dma_start3A_73] : memref<40x128xi32, #tpu.memory_space<vmem>> -> memref<1x128xi32, #tpu.memory_space<vmem>>
        %dma_start3A_75 = tpu.memref_squeeze %dma_start3A_74 : memref<1x128xi32, #tpu.memory_space<vmem>> -> memref<128xi32, #tpu.memory_space<vmem>>
        %dma_start3A_76 = arith.constant 0 : i32
        %dma_start3A_77 = arith.constant 0 : i32
        %dma_start3A_78 = tpu.memref_slice %arg11[%dma_start3A_76, %dma_start3A_77] : memref<10240x128xf32, #tpu.memory_space<vmem_shared>> -> memref<10240x128xf32, #tpu.memory_space<vmem_shared>>
        tpu.enqueue_indirect_dma source(%arg10 : memref<128x128xf32, #tpu.memory_space<vmem>>) target(%dma_start3A_78 : memref<10240x128xf32, #tpu.memory_space<vmem_shared>>) offsets(%dma_start3A_75 : memref<128xi32, #tpu.memory_space<vmem>>) semaphore(%run_scoped3A : memref<!tpu.dma_semaphore, #tpu.memory_space<semaphore_mem>>) {add = true}
        %dma_wait3A_79 = arith.constant 0 : i32
        %dma_wait3A_80 = tpu.memref_slice %arg8[%add3A_71, %dma_wait3A_79] : memref<40x128xi32, #tpu.memory_space<vmem>> -> memref<1x128xi32, #tpu.memory_space<vmem>>
        %dma_wait3A_81 = tpu.memref_squeeze %dma_wait3A_80 : memref<1x128xi32, #tpu.memory_space<vmem>> -> memref<128xi32, #tpu.memory_space<vmem>>
        %dma_wait3A_82 = arith.constant 0 : i32
        %dma_wait3A_83 = arith.constant 0 : i32
        %dma_wait3A_84 = tpu.memref_slice %arg11[%dma_wait3A_82, %dma_wait3A_83] : memref<10240x128xf32, #tpu.memory_space<vmem_shared>> -> memref<10240x128xf32, #tpu.memory_space<vmem_shared>>
        tpu.wait_indirect_dma semaphore(%run_scoped3A : memref<!tpu.dma_semaphore, #tpu.memory_space<semaphore_mem>>) src(%arg10 : memref<128x128xf32, #tpu.memory_space<vmem>>) dst(%dma_wait3A_84 : memref<10240x128xf32, #tpu.memory_space<vmem_shared>>)
        tpu.yield
      }) : () -> ()
      %scan3A_72 = arith.constant 0 : i32
      scf.yield %scan3A_72 : i32
    }
    %scan3A_18 = arith.constant 20 : i32
    %add3A_19 = arith.constant 40 : i32
    %add3A_20 = arith.addi %mul3A_4, %add3A_19 : i32
    "tpu.region"() ({
      %run_scoped3A = tpu.sem_alloc : memref<!tpu.dma_semaphore, #tpu.memory_space<semaphore_mem>>
      %dma_start3A_41 = arith.constant 0 : i32
      %dma_start3A_42 = tpu.memref_slice %arg3[%add3A_20, %dma_start3A_41] : memref<2560x128xi32, #tpu.memory_space<hbm>> -> memref<40x128xi32, #tpu.memory_space<hbm>>
      %dma_start3A_43 = arith.constant 0 : i32
      %dma_start3A_44 = tpu.memref_slice %arg3[%add3A_20, %dma_start3A_43] : memref<2560x128xi32, #tpu.memory_space<hbm>> -> memref<40x128xi32, #tpu.memory_space<hbm>>
      tpu.enqueue_dma source(%dma_start3A_44 : memref<40x128xi32, #tpu.memory_space<hbm>>) target(%arg7 : memref<40x128xi32, #tpu.memory_space<vmem>>) target_semaphore(%run_scoped3A : memref<!tpu.dma_semaphore, #tpu.memory_space<semaphore_mem>>)
      %dma_wait3A = arith.constant 0 : i32
      %dma_wait3A_45 = tpu.memref_slice %arg3[%add3A_20, %dma_wait3A] : memref<2560x128xi32, #tpu.memory_space<hbm>> -> memref<40x128xi32, #tpu.memory_space<hbm>>
      %dma_wait3A_46 = arith.constant 0 : i32
      %dma_wait3A_47 = tpu.memref_slice %arg3[%add3A_20, %dma_wait3A_46] : memref<2560x128xi32, #tpu.memory_space<hbm>> -> memref<40x128xi32, #tpu.memory_space<hbm>>
      tpu.wait_dma2 semaphore(%run_scoped3A : memref<!tpu.dma_semaphore, #tpu.memory_space<semaphore_mem>>) src(%dma_wait3A_47 : memref<40x128xi32, #tpu.memory_space<hbm>>) dst(%arg7 : memref<40x128xi32, #tpu.memory_space<vmem>>)
      tpu.yield
    }) : () -> ()
    "tpu.region"() ({
      %run_scoped3A = tpu.sem_alloc : memref<!tpu.dma_semaphore, #tpu.memory_space<semaphore_mem>>
      %dma_start3A_41 = arith.constant 0 : i32
      %dma_start3A_42 = tpu.memref_slice %arg4[%add3A_20, %dma_start3A_41] : memref<2560x128xi32, #tpu.memory_space<hbm>> -> memref<40x128xi32, #tpu.memory_space<hbm>>
      %dma_start3A_43 = arith.constant 0 : i32
      %dma_start3A_44 = tpu.memref_slice %arg4[%add3A_20, %dma_start3A_43] : memref<2560x128xi32, #tpu.memory_space<hbm>> -> memref<40x128xi32, #tpu.memory_space<hbm>>
      tpu.enqueue_dma source(%dma_start3A_44 : memref<40x128xi32, #tpu.memory_space<hbm>>) target(%arg8 : memref<40x128xi32, #tpu.memory_space<vmem>>) target_semaphore(%run_scoped3A : memref<!tpu.dma_semaphore, #tpu.memory_space<semaphore_mem>>)
      %dma_wait3A = arith.constant 0 : i32
      %dma_wait3A_45 = tpu.memref_slice %arg4[%add3A_20, %dma_wait3A] : memref<2560x128xi32, #tpu.memory_space<hbm>> -> memref<40x128xi32, #tpu.memory_space<hbm>>
      %dma_wait3A_46 = arith.constant 0 : i32
      %dma_wait3A_47 = tpu.memref_slice %arg4[%add3A_20, %dma_wait3A_46] : memref<2560x128xi32, #tpu.memory_space<hbm>> -> memref<40x128xi32, #tpu.memory_space<hbm>>
      tpu.wait_dma2 semaphore(%run_scoped3A : memref<!tpu.dma_semaphore, #tpu.memory_space<semaphore_mem>>) src(%dma_wait3A_47 : memref<40x128xi32, #tpu.memory_space<hbm>>) dst(%arg8 : memref<40x128xi32, #tpu.memory_space<vmem>>)
      tpu.yield
    }) : () -> ()
    %dma_start3A_21 = arith.constant 0 : i32
    %dma_start3A_22 = arith.constant 0 : i32
    %dma_start3A_23 = tpu.memref_slice %arg7[%dma_start3A_21, %dma_start3A_22] : memref<40x128xi32, #tpu.memory_space<vmem>> -> memref<1x128xi32, #tpu.memory_space<vmem>>
    %dma_start3A_24 = tpu.memref_squeeze %dma_start3A_23 : memref<1x128xi32, #tpu.memory_space<vmem>> -> memref<128xi32, #tpu.memory_space<vmem>>
    %dma_start3A_25 = arith.constant 0 : i32
    %dma_start3A_26 = arith.constant 0 : i32
    %dma_start3A_27 = tpu.memref_slice %arg2[%dma_start3A_25, %dma_start3A_26] : memref<10000x128xf32, #tpu.memory_space<hbm>> -> memref<10000x128xf32, #tpu.memory_space<hbm>>
    tpu.enqueue_indirect_dma source(%dma_start3A_27 : memref<10000x128xf32, #tpu.memory_space<hbm>>) target(%arg9 : memref<128x128xf32, #tpu.memory_space<vmem>>) offsets(%dma_start3A_24 : memref<128xi32, #tpu.memory_space<vmem>>) semaphore(%arg12 : memref<!tpu.dma_semaphore, #tpu.memory_space<semaphore_mem>>)
    %scan3A_28 = arith.constant 0 : i32
    %scan3A_29 = arith.constant 0 : i32
    %scan3A_30 = arith.constant 20 : i32
    %scan3A_31 = arith.addi %scan3A_29, %scan3A_30 : i32
    %scan3A_32 = arith.constant 1 : i32
    %scan3A_33 = scf.for %scan3A_41 = %scan3A_29 to %scan3A_31 step %scan3A_32 iter_args(%scan3A_42 = %scan3A_28) -> (i32)  : i32 {
      %mul3A_43 = arith.constant 2 : i32
      %mul3A_44 = arith.muli %mul3A_43, %scan3A_41 : i32
      %add3A_45 = arith.constant 1 : i32
      %add3A_46 = arith.addi %mul3A_44, %add3A_45 : i32
      %dma_start3A_47 = arith.constant 0 : i32
      %dma_start3A_48 = tpu.memref_slice %arg7[%add3A_46, %dma_start3A_47] : memref<40x128xi32, #tpu.memory_space<vmem>> -> memref<1x128xi32, #tpu.memory_space<vmem>>
      %dma_start3A_49 = tpu.memref_squeeze %dma_start3A_48 : memref<1x128xi32, #tpu.memory_space<vmem>> -> memref<128xi32, #tpu.memory_space<vmem>>
      %dma_start3A_50 = arith.constant 0 : i32
      %dma_start3A_51 = arith.constant 0 : i32
      %dma_start3A_52 = tpu.memref_slice %arg2[%dma_start3A_50, %dma_start3A_51] : memref<10000x128xf32, #tpu.memory_space<hbm>> -> memref<10000x128xf32, #tpu.memory_space<hbm>>
      tpu.enqueue_indirect_dma source(%dma_start3A_52 : memref<10000x128xf32, #tpu.memory_space<hbm>>) target(%arg10 : memref<128x128xf32, #tpu.memory_space<vmem>>) offsets(%dma_start3A_49 : memref<128xi32, #tpu.memory_space<vmem>>) semaphore(%arg13 : memref<!tpu.dma_semaphore, #tpu.memory_space<semaphore_mem>>)
      %dma_wait3A = arith.constant 0 : i32
      %dma_wait3A_53 = tpu.memref_slice %arg7[%mul3A_44, %dma_wait3A] : memref<40x128xi32, #tpu.memory_space<vmem>> -> memref<1x128xi32, #tpu.memory_space<vmem>>
      %dma_wait3A_54 = tpu.memref_squeeze %dma_wait3A_53 : memref<1x128xi32, #tpu.memory_space<vmem>> -> memref<128xi32, #tpu.memory_space<vmem>>
      %dma_wait3A_55 = arith.constant 0 : i32
      %dma_wait3A_56 = arith.constant 0 : i32
      %dma_wait3A_57 = tpu.memref_slice %arg2[%dma_wait3A_55, %dma_wait3A_56] : memref<10000x128xf32, #tpu.memory_space<hbm>> -> memref<10000x128xf32, #tpu.memory_space<hbm>>
      tpu.wait_indirect_dma semaphore(%arg12 : memref<!tpu.dma_semaphore, #tpu.memory_space<semaphore_mem>>) src(%dma_wait3A_57 : memref<10000x128xf32, #tpu.memory_space<hbm>>) dst(%arg9 : memref<128x128xf32, #tpu.memory_space<vmem>>)
      "tpu.region"() ({
        %run_scoped3A = tpu.sem_alloc : memref<!tpu.dma_semaphore, #tpu.memory_space<semaphore_mem>>
        %dma_start3A_73 = arith.constant 0 : i32
        %dma_start3A_74 = tpu.memref_slice %arg8[%mul3A_44, %dma_start3A_73] : memref<40x128xi32, #tpu.memory_space<vmem>> -> memref<1x128xi32, #tpu.memory_space<vmem>>
        %dma_start3A_75 = tpu.memref_squeeze %dma_start3A_74 : memref<1x128xi32, #tpu.memory_space<vmem>> -> memref<128xi32, #tpu.memory_space<vmem>>
        %dma_start3A_76 = arith.constant 0 : i32
        %dma_start3A_77 = arith.constant 0 : i32
        %dma_start3A_78 = tpu.memref_slice %arg11[%dma_start3A_76, %dma_start3A_77] : memref<10240x128xf32, #tpu.memory_space<vmem_shared>> -> memref<10240x128xf32, #tpu.memory_space<vmem_shared>>
        tpu.enqueue_indirect_dma source(%arg9 : memref<128x128xf32, #tpu.memory_space<vmem>>) target(%dma_start3A_78 : memref<10240x128xf32, #tpu.memory_space<vmem_shared>>) offsets(%dma_start3A_75 : memref<128xi32, #tpu.memory_space<vmem>>) semaphore(%run_scoped3A : memref<!tpu.dma_semaphore, #tpu.memory_space<semaphore_mem>>) {add = true}
        %dma_wait3A_79 = arith.constant 0 : i32
        %dma_wait3A_80 = tpu.memref_slice %arg8[%mul3A_44, %dma_wait3A_79] : memref<40x128xi32, #tpu.memory_space<vmem>> -> memref<1x128xi32, #tpu.memory_space<vmem>>
        %dma_wait3A_81 = tpu.memref_squeeze %dma_wait3A_80 : memref<1x128xi32, #tpu.memory_space<vmem>> -> memref<128xi32, #tpu.memory_space<vmem>>
        %dma_wait3A_82 = arith.constant 0 : i32
        %dma_wait3A_83 = arith.constant 0 : i32
        %dma_wait3A_84 = tpu.memref_slice %arg11[%dma_wait3A_82, %dma_wait3A_83] : memref<10240x128xf32, #tpu.memory_space<vmem_shared>> -> memref<10240x128xf32, #tpu.memory_space<vmem_shared>>
        tpu.wait_indirect_dma semaphore(%run_scoped3A : memref<!tpu.dma_semaphore, #tpu.memory_space<semaphore_mem>>) src(%arg9 : memref<128x128xf32, #tpu.memory_space<vmem>>) dst(%dma_wait3A_84 : memref<10240x128xf32, #tpu.memory_space<vmem_shared>>)
        tpu.yield
      }) : () -> ()
      %add3A_58 = arith.constant 2 : i32
      %add3A_59 = arith.addi %mul3A_44, %add3A_58 : i32
      %lt3A = arith.constant 40 : i32
      %lt3A_60 = arith.cmpi slt, %add3A_59, %lt3A : i32
      %convert_element_type3A_61 = arith.extui %lt3A_60 : i1 to i32
      %cond3A_62 = arith.constant 0 : i32
      %cond3A_63 = arith.cmpi ne, %convert_element_type3A_61, %cond3A_62 : i32
      scf.if %cond3A_63 {
        %add3A_73 = arith.constant 2 : i32
        %add3A_74 = arith.addi %mul3A_44, %add3A_73 : i32
        %dma_start3A_75 = arith.constant 0 : i32
        %dma_start3A_76 = tpu.memref_slice %arg7[%add3A_74, %dma_start3A_75] : memref<40x128xi32, #tpu.memory_space<vmem>> -> memref<1x128xi32, #tpu.memory_space<vmem>>
        %dma_start3A_77 = tpu.memref_squeeze %dma_start3A_76 : memref<1x128xi32, #tpu.memory_space<vmem>> -> memref<128xi32, #tpu.memory_space<vmem>>
        %dma_start3A_78 = arith.constant 0 : i32
        %dma_start3A_79 = arith.constant 0 : i32
        %dma_start3A_80 = tpu.memref_slice %arg2[%dma_start3A_78, %dma_start3A_79] : memref<10000x128xf32, #tpu.memory_space<hbm>> -> memref<10000x128xf32, #tpu.memory_space<hbm>>
        tpu.enqueue_indirect_dma source(%dma_start3A_80 : memref<10000x128xf32, #tpu.memory_space<hbm>>) target(%arg9 : memref<128x128xf32, #tpu.memory_space<vmem>>) offsets(%dma_start3A_77 : memref<128xi32, #tpu.memory_space<vmem>>) semaphore(%arg12 : memref<!tpu.dma_semaphore, #tpu.memory_space<semaphore_mem>>)
      } else {
      }
      %dma_wait3A_64 = arith.constant 0 : i32
      %dma_wait3A_65 = tpu.memref_slice %arg7[%add3A_46, %dma_wait3A_64] : memref<40x128xi32, #tpu.memory_space<vmem>> -> memref<1x128xi32, #tpu.memory_space<vmem>>
      %dma_wait3A_66 = tpu.memref_squeeze %dma_wait3A_65 : memref<1x128xi32, #tpu.memory_space<vmem>> -> memref<128xi32, #tpu.memory_space<vmem>>
      %dma_wait3A_67 = arith.constant 0 : i32
      %dma_wait3A_68 = arith.constant 0 : i32
      %dma_wait3A_69 = tpu.memref_slice %arg2[%dma_wait3A_67, %dma_wait3A_68] : memref<10000x128xf32, #tpu.memory_space<hbm>> -> memref<10000x128xf32, #tpu.memory_space<hbm>>
      tpu.wait_indirect_dma semaphore(%arg13 : memref<!tpu.dma_semaphore, #tpu.memory_space<semaphore_mem>>) src(%dma_wait3A_69 : memref<10000x128xf32, #tpu.memory_space<hbm>>) dst(%arg10 : memref<128x128xf32, #tpu.memory_space<vmem>>)
      %add3A_70 = arith.constant 1 : i32
      %add3A_71 = arith.addi %mul3A_44, %add3A_70 : i32
      "tpu.region"() ({
        %run_scoped3A = tpu.sem_alloc : memref<!tpu.dma_semaphore, #tpu.memory_space<semaphore_mem>>
        %dma_start3A_73 = arith.constant 0 : i32
        %dma_start3A_74 = tpu.memref_slice %arg8[%add3A_71, %dma_start3A_73] : memref<40x128xi32, #tpu.memory_space<vmem>> -> memref<1x128xi32, #tpu.memory_space<vmem>>
        %dma_start3A_75 = tpu.memref_squeeze %dma_start3A_74 : memref<1x128xi32, #tpu.memory_space<vmem>> -> memref<128xi32, #tpu.memory_space<vmem>>
        %dma_start3A_76 = arith.constant 0 : i32
        %dma_start3A_77 = arith.constant 0 : i32
        %dma_start3A_78 = tpu.memref_slice %arg11[%dma_start3A_76, %dma_start3A_77] : memref<10240x128xf32, #tpu.memory_space<vmem_shared>> -> memref<10240x128xf32, #tpu.memory_space<vmem_shared>>
        tpu.enqueue_indirect_dma source(%arg10 : memref<128x128xf32, #tpu.memory_space<vmem>>) target(%dma_start3A_78 : memref<10240x128xf32, #tpu.memory_space<vmem_shared>>) offsets(%dma_start3A_75 : memref<128xi32, #tpu.memory_space<vmem>>) semaphore(%run_scoped3A : memref<!tpu.dma_semaphore, #tpu.memory_space<semaphore_mem>>) {add = true}
        %dma_wait3A_79 = arith.constant 0 : i32
        %dma_wait3A_80 = tpu.memref_slice %arg8[%add3A_71, %dma_wait3A_79] : memref<40x128xi32, #tpu.memory_space<vmem>> -> memref<1x128xi32, #tpu.memory_space<vmem>>
        %dma_wait3A_81 = tpu.memref_squeeze %dma_wait3A_80 : memref<1x128xi32, #tpu.memory_space<vmem>> -> memref<128xi32, #tpu.memory_space<vmem>>
        %dma_wait3A_82 = arith.constant 0 : i32
        %dma_wait3A_83 = arith.constant 0 : i32
        %dma_wait3A_84 = tpu.memref_slice %arg11[%dma_wait3A_82, %dma_wait3A_83] : memref<10240x128xf32, #tpu.memory_space<vmem_shared>> -> memref<10240x128xf32, #tpu.memory_space<vmem_shared>>
        tpu.wait_indirect_dma semaphore(%run_scoped3A : memref<!tpu.dma_semaphore, #tpu.memory_space<semaphore_mem>>) src(%arg10 : memref<128x128xf32, #tpu.memory_space<vmem>>) dst(%dma_wait3A_84 : memref<10240x128xf32, #tpu.memory_space<vmem_shared>>)
        tpu.yield
      }) : () -> ()
      %scan3A_72 = arith.constant 0 : i32
      scf.yield %scan3A_72 : i32
    }
    %scan3A_34 = arith.constant 20 : i32
    %barrier3A_35 = arith.constant 0 : index
    tpu.barrier barrier_id(%barrier3A_35)
    %eq3A_36 = arith.constant 0 : i32
    %eq3A_37 = arith.cmpi eq, %arg1, %eq3A_36 : i32
    %convert_element_type3A_38 = arith.extui %eq3A_37 : i1 to i32
    %cond3A_39 = arith.constant 0 : i32
    %cond3A_40 = arith.cmpi ne, %convert_element_type3A_38, %cond3A_39 : i32
    scf.if %cond3A_40 {
      "tpu.region"() ({
        %run_scoped3A = tpu.sem_alloc : memref<!tpu.dma_semaphore, #tpu.memory_space<semaphore_mem>>
        %dma_start3A_41 = arith.constant 0 : i32
        %dma_start3A_42 = arith.constant 0 : i32
        %dma_start3A_43 = tpu.memref_slice %arg6[%arg0, %dma_start3A_41, %dma_start3A_42] : memref<2x10240x128xf32, #tpu.memory_space<hbm>> -> memref<1x10240x128xf32, #tpu.memory_space<hbm>>
        %dma_start3A_44 = tpu.memref_squeeze %dma_start3A_43 : memref<1x10240x128xf32, #tpu.memory_space<hbm>> -> memref<10240x128xf32, #tpu.memory_space<hbm>>
        tpu.enqueue_dma source(%arg11 : memref<10240x128xf32, #tpu.memory_space<vmem_shared>>) target(%dma_start3A_44 : memref<10240x128xf32, #tpu.memory_space<hbm>>) target_semaphore(%run_scoped3A : memref<!tpu.dma_semaphore, #tpu.memory_space<semaphore_mem>>)
        %dma_wait3A = arith.constant 0 : i32
        %dma_wait3A_45 = arith.constant 0 : i32
        %dma_wait3A_46 = tpu.memref_slice %arg6[%arg0, %dma_wait3A, %dma_wait3A_45] : memref<2x10240x128xf32, #tpu.memory_space<hbm>> -> memref<1x10240x128xf32, #tpu.memory_space<hbm>>
        %dma_wait3A_47 = tpu.memref_squeeze %dma_wait3A_46 : memref<1x10240x128xf32, #tpu.memory_space<hbm>> -> memref<10240x128xf32, #tpu.memory_space<hbm>>
        tpu.wait_dma2 semaphore(%run_scoped3A : memref<!tpu.dma_semaphore, #tpu.memory_space<semaphore_mem>>) src(%arg11 : memref<10240x128xf32, #tpu.memory_space<vmem_shared>>) dst(%dma_wait3A_47 : memref<10240x128xf32, #tpu.memory_space<hbm>>)
        tpu.yield
      }) : () -> ()
    } else {
    }
    return
  }
}

module attributes {stable_mosaic.version = 14 : i64} {
  func.func @_tc1_body(%arg0: memref<10000x128xf32, #tpu.memory_space<vmem>>, %arg1: memref<128x128xf32, #tpu.memory_space<vmem>>, %arg2: memref<2x10240x128xf32, #tpu.memory_space<vmem>>, %arg3: memref<10000x128xf32, #tpu.memory_space<vmem>>, %arg4: memref<10000x1xf32, #tpu.memory_space<vmem>>) attributes {dimension_semantics = [], scalar_prefetch = 0 : i64, scratch_operands = 0 : i64, tpu.core_type = #tpu.core_type<tc>} {
    %get3A = arith.constant 0 : index
    %get3A_0 = arith.constant 0 : index
    %get3A_1 = arith.constant 0 : index
    %get3A_2 = vector.load %arg2[%get3A, %get3A_0, %get3A_1] : memref<2x10240x128xf32, #tpu.memory_space<vmem>>, vector<1x10000x1xf32>
    %get3A_3 = vector.shape_cast %get3A_2 : vector<1x10000x1xf32> to vector<10000x1xf32>
    %get3A_4 = arith.constant 1 : index
    %get3A_5 = arith.constant 0 : index
    %get3A_6 = arith.constant 0 : index
    %get3A_7 = vector.load %arg2[%get3A_4, %get3A_5, %get3A_6] : memref<2x10240x128xf32, #tpu.memory_space<vmem>>, vector<1x10000x1xf32>
    %get3A_8 = vector.shape_cast %get3A_7 : vector<1x10000x1xf32> to vector<10000x1xf32>
    %add3A = arith.addf %get3A_3, %get3A_8 : vector<10000x1xf32>
    %add3A_9 = arith.constant 1.000000e+00 : f32
    %add3A_10 = vector.broadcast %add3A_9 : f32 to vector<10000x1xf32>
    %add3A_11 = arith.addf %add3A, %add3A_10 : vector<10000x1xf32>
    %rsqrt3A = math.rsqrt %add3A_11 : vector<10000x1xf32>
    %get3A_12 = arith.constant 0 : index
    %get3A_13 = arith.constant 0 : index
    %get3A_14 = vector.load %arg0[%get3A_12, %get3A_13] : memref<10000x128xf32, #tpu.memory_space<vmem>>, vector<10000x128xf32>
    %get3A_15 = arith.constant 0 : index
    %get3A_16 = arith.constant 0 : index
    %get3A_17 = vector.load %arg1[%get3A_15, %get3A_16] : memref<128x128xf32, #tpu.memory_space<vmem>>, vector<128x128xf32>
    %dot_general3A = arith.constant dense<0.000000e+00> : vector<10000x128xf32>
    %dot_general3A_18 = tpu.matmul %get3A_14, %get3A_17, %dot_general3A {dimension_numbers = #tpu.dot_dimension_numbers<[1], [0], [0], [1], [0, 0, 1, 1], [], []>, transpose_lhs_hint = false} : vector<10000x128xf32>, vector<128x128xf32>, vector<10000x128xf32> -> vector<10000x128xf32>
    %mul3A = vector.broadcast %rsqrt3A : vector<10000x1xf32> to vector<10000x128xf32>
    %mul3A_19 = arith.mulf %dot_general3A_18, %mul3A : vector<10000x128xf32>
    %swap3A = arith.constant 0 : index
    %swap3A_20 = arith.constant 0 : index
    %swap3A_21 = vector.load %arg3[%swap3A, %swap3A_20] : memref<10000x128xf32, #tpu.memory_space<vmem>>, vector<10000x128xf32>
    tpu.vector_store %arg3[%swap3A, %swap3A_20], %mul3A_19 {strides = array<i32>} : memref<10000x128xf32, #tpu.memory_space<vmem>>, vector<10000x128xf32>,
    %swap3A_22 = arith.constant 0 : index
    %swap3A_23 = arith.constant 0 : index
    %swap3A_24 = vector.load %arg4[%swap3A_22, %swap3A_23] : memref<10000x1xf32, #tpu.memory_space<vmem>>, vector<10000x1xf32>
    tpu.vector_store %arg4[%swap3A_22, %swap3A_23], %rsqrt3A {strides = array<i32>} : memref<10000x1xf32, #tpu.memory_space<vmem>>, vector<10000x1xf32>,
    return
  }
}

module attributes {stable_mosaic.version = 14 : i64} {
  func.func @_tc2_body(%arg0: memref<2x10240x128xf32, #tpu.memory_space<vmem>>, %arg1: memref<10000x128xf32, #tpu.memory_space<vmem>>, %arg2: memref<10000x1xf32, #tpu.memory_space<vmem>>, %arg3: memref<128xf32, #tpu.memory_space<vmem>>, %arg4: memref<128x128xf32, #tpu.memory_space<vmem>>, %arg5: memref<10000x128xf32, #tpu.memory_space<vmem>>) attributes {dimension_semantics = [], scalar_prefetch = 0 : i64, scratch_operands = 0 : i64, tpu.core_type = #tpu.core_type<tc>} {
    %get3A = arith.constant 0 : index
    %get3A_0 = arith.constant 0 : index
    %get3A_1 = vector.load %arg2[%get3A, %get3A_0] : memref<10000x1xf32, #tpu.memory_space<vmem>>, vector<10000x1xf32>
    %get3A_2 = arith.constant 0 : index
    %get3A_3 = arith.constant 0 : index
    %get3A_4 = arith.constant 0 : index
    %get3A_5 = vector.load %arg0[%get3A_2, %get3A_3, %get3A_4] : memref<2x10240x128xf32, #tpu.memory_space<vmem>>, vector<1x10000x128xf32>
    %get3A_6 = vector.shape_cast %get3A_5 : vector<1x10000x128xf32> to vector<10000x128xf32>
    %get3A_7 = arith.constant 1 : index
    %get3A_8 = arith.constant 0 : index
    %get3A_9 = arith.constant 0 : index
    %get3A_10 = vector.load %arg0[%get3A_7, %get3A_8, %get3A_9] : memref<2x10240x128xf32, #tpu.memory_space<vmem>>, vector<1x10000x128xf32>
    %get3A_11 = vector.shape_cast %get3A_10 : vector<1x10000x128xf32> to vector<10000x128xf32>
    %add3A = arith.addf %get3A_6, %get3A_11 : vector<10000x128xf32>
    %get3A_12 = arith.constant 0 : index
    %get3A_13 = arith.constant 0 : index
    %get3A_14 = vector.load %arg1[%get3A_12, %get3A_13] : memref<10000x128xf32, #tpu.memory_space<vmem>>, vector<10000x128xf32>
    %add3A_15 = arith.addf %add3A, %get3A_14 : vector<10000x128xf32>
    %mul3A = vector.broadcast %get3A_1 : vector<10000x1xf32> to vector<10000x128xf32>
    %mul3A_16 = arith.mulf %add3A_15, %mul3A : vector<10000x128xf32>
    %get3A_17 = arith.constant 0 : index
    %get3A_18 = vector.load %arg3[%get3A_17] : memref<128xf32, #tpu.memory_space<vmem>>, vector<128xf32>
    %broadcast_in_dim3A = vector.shape_cast %get3A_18 : vector<128xf32> to vector<1x128xf32>
    %add3A_19 = vector.broadcast %broadcast_in_dim3A : vector<1x128xf32> to vector<10000x128xf32>
    %add3A_20 = arith.addf %mul3A_16, %add3A_19 : vector<10000x128xf32>
    %max3A = arith.constant 0.000000e+00 : f32
    %max3A_21 = vector.broadcast %max3A : f32 to vector<10000x128xf32>
    %max3A_22 = arith.maximumf %add3A_20, %max3A_21 : vector<10000x128xf32>
    %get3A_23 = arith.constant 0 : index
    %get3A_24 = arith.constant 0 : index
    %get3A_25 = vector.load %arg4[%get3A_23, %get3A_24] : memref<128x128xf32, #tpu.memory_space<vmem>>, vector<128x128xf32>
    %dot_general3A = arith.constant dense<0.000000e+00> : vector<10000x128xf32>
    %dot_general3A_26 = tpu.matmul %max3A_22, %get3A_25, %dot_general3A {dimension_numbers = #tpu.dot_dimension_numbers<[1], [0], [0], [1], [0, 0, 1, 1], [], []>, transpose_lhs_hint = false} : vector<10000x128xf32>, vector<128x128xf32>, vector<10000x128xf32> -> vector<10000x128xf32>
    %mul3A_27 = vector.broadcast %get3A_1 : vector<10000x1xf32> to vector<10000x128xf32>
    %mul3A_28 = arith.mulf %dot_general3A_26, %mul3A_27 : vector<10000x128xf32>
    %swap3A = arith.constant 0 : index
    %swap3A_29 = arith.constant 0 : index
    %swap3A_30 = vector.load %arg5[%swap3A, %swap3A_29] : memref<10000x128xf32, #tpu.memory_space<vmem>>, vector<10000x128xf32>
    tpu.vector_store %arg5[%swap3A, %swap3A_29], %mul3A_28 {strides = array<i32>} : memref<10000x128xf32, #tpu.memory_space<vmem>>, vector<10000x128xf32>,
    return
  }
}

module attributes {stable_mosaic.version = 14 : i64} {
  func.func @_tc3_body(%arg0: memref<2x10240x128xf32, #tpu.memory_space<vmem>>, %arg1: memref<10000x128xf32, #tpu.memory_space<vmem>>, %arg2: memref<10000x1xf32, #tpu.memory_space<vmem>>, %arg3: memref<128xf32, #tpu.memory_space<vmem>>, %arg4: memref<10000x128xf32, #tpu.memory_space<vmem>>) attributes {dimension_semantics = [], scalar_prefetch = 0 : i64, scratch_operands = 0 : i64, tpu.core_type = #tpu.core_type<tc>} {
    %get3A = arith.constant 0 : index
    %get3A_0 = arith.constant 0 : index
    %get3A_1 = arith.constant 0 : index
    %get3A_2 = vector.load %arg0[%get3A, %get3A_0, %get3A_1] : memref<2x10240x128xf32, #tpu.memory_space<vmem>>, vector<1x10000x128xf32>
    %get3A_3 = vector.shape_cast %get3A_2 : vector<1x10000x128xf32> to vector<10000x128xf32>
    %get3A_4 = arith.constant 1 : index
    %get3A_5 = arith.constant 0 : index
    %get3A_6 = arith.constant 0 : index
    %get3A_7 = vector.load %arg0[%get3A_4, %get3A_5, %get3A_6] : memref<2x10240x128xf32, #tpu.memory_space<vmem>>, vector<1x10000x128xf32>
    %get3A_8 = vector.shape_cast %get3A_7 : vector<1x10000x128xf32> to vector<10000x128xf32>
    %add3A = arith.addf %get3A_3, %get3A_8 : vector<10000x128xf32>
    %get3A_9 = arith.constant 0 : index
    %get3A_10 = arith.constant 0 : index
    %get3A_11 = vector.load %arg1[%get3A_9, %get3A_10] : memref<10000x128xf32, #tpu.memory_space<vmem>>, vector<10000x128xf32>
    %add3A_12 = arith.addf %add3A, %get3A_11 : vector<10000x128xf32>
    %get3A_13 = arith.constant 0 : index
    %get3A_14 = arith.constant 0 : index
    %get3A_15 = vector.load %arg2[%get3A_13, %get3A_14] : memref<10000x1xf32, #tpu.memory_space<vmem>>, vector<10000x1xf32>
    %mul3A = vector.broadcast %get3A_15 : vector<10000x1xf32> to vector<10000x128xf32>
    %mul3A_16 = arith.mulf %add3A_12, %mul3A : vector<10000x128xf32>
    %get3A_17 = arith.constant 0 : index
    %get3A_18 = vector.load %arg3[%get3A_17] : memref<128xf32, #tpu.memory_space<vmem>>, vector<128xf32>
    %broadcast_in_dim3A = vector.shape_cast %get3A_18 : vector<128xf32> to vector<1x128xf32>
    %add3A_19 = vector.broadcast %broadcast_in_dim3A : vector<1x128xf32> to vector<10000x128xf32>
    %add3A_20 = arith.addf %mul3A_16, %add3A_19 : vector<10000x128xf32>
    %swap3A = arith.constant 0 : index
    %swap3A_21 = arith.constant 0 : index
    %swap3A_22 = vector.load %arg4[%swap3A, %swap3A_21] : memref<10000x128xf32, #tpu.memory_space<vmem>>, vector<10000x128xf32>
    tpu.vector_store %arg4[%swap3A, %swap3A_21], %add3A_20 {strides = array<i32>} : memref<10000x128xf32, #tpu.memory_space<vmem>>, vector<10000x128xf32>,
    return
  }
}

</mosaic_0001>

<sc_bundles>
// kernel: kernel.11.cloned.1.call-start
scs
__scs_entry_jumppad:
0x0: {  	(pc) =	sbr.rel $0x88, $3  }
0x1: {  	(tag) =	ssettag $0x0;
	lr =	simm.s32 $0x1  }
0x2: {  	[smem:$0x3F9B] =	sst lr;
	_ =	strace $0xD0000000  }
0x3: {  	_ = 	snop  }
0x4: {  	_ = 	snop  }
0x5: {  	_ = 	snop  }
0x6: {  	_ = 	snop  }
0x7: {  	_ = 	snop  }
__scs_overlays_trampoline_lowered:
0x8: {  	[smem:$0x3FAA] =	sst s0  }
0x9: {  	[smem:$0x3FAB] =	sst s1  }
0xa: {  	[smem:$0x3FAC] =	sst s2  }
0xb: {  	[smem:$0x3FAD] =	sst s3  }
0xc: {  	[smem:$0x3FAE] =	sst s4  }
0xd: {  	[smem:$0x3FAF] =	sst s5  }
0xe: {  	[smem:$0x3FB0] =	sst s6  }
0xf: {  	[smem:$0x3FB1] =	sst s7  }
0x10: {  	[smem:$0x3FB2] =	sst s8  }
0x11: {  	[smem:$0x3FB3] =	sst s9;
	s0 =	simm.s32 @!p0 $0x0  }
0x12: {  	s1 =	sld [smem:$0x3F99];
	s0 =	simm.s32 @p0 $0x1  }
0x13: {  	[smem:$0x3FB4] =	sst s0;
	s0 =	simm.s32 @!p1 $0x0  }
0x14: {  	s2 =	sld [smem:$0x3F98];
	s0 =	simm.s32 @p1 $0x1  }
0x15: {  	[smem:$0x3FB5] =	sst s0;
	s0 =	simm.s32 @!p2 $0x0  }
0x16: {  	s3 =	sld [smem:$0x3FDB];
	s0 =	simm.s32 @p2 $0x1  }
0x17: {  	s4 =	simm.s32 $0x1BF5;
	[smem:$0x3FB7] =	sst s0  }
0x18: {  	s0 =	sld [smem:$0x3F9A];
	_ =	swait.ge [sflag:s4], $0x0  }
0x19: {  	s7 =	sld [smem:$0x3F9B]  }
0x1a: {  	s8 =	sadd.s32 $0xFFFFE003, lr  }
0x1b: {  	s9 =	sadd.s32 $0xFFFFFEF7, lr;
	s5 =	simm.s32 $0xFFFFFFFF;
	p2 =	slt.u32 s8, $0xFFFFF086  }
0x1c: {  	p1 =	slt.u32 s9, $0xF7A;
	s5 =	simm.s32 @!p2 $0x0  }
0x1d: {  	s5 =	simm.s32 @p1 $0x1;
	p0 =	seq.s32 s7, s2  }
0x1e: {  	s7 =	smul.u32 @!p0 $0xF7A, s2;
	p2 =	seq.s32 @!p0 s5, $0x0  }
0x1f: {  	s9 =	smul.u32 $0xF7A, s1;
	s8 =	simm.s32 @!p0 $0x1BF5;
	p2 =	por !p2, p0  }
0x20: {  	[sflag:s8] =	ssyncset.s32 @!p0 $0xFFFFF086;
	s6 =	sadd.s32 @!p0 s3, s7;
	s7 =	simm.s32 @!p0 $0x108  }
0x21: {  	s3 =	sadd.s32 s3, s9;
	s6 =	sadd.s32 @!p0 $0x88, s6;
	s7 =	simm.s32 @p2 $0x1082  }
0x22: {  	[simem:s7], [sflag:s8] =	dma.local @!p0 [hbm:s6], $0xF7A  }
0x23: {  	s9 =	sor.u32 $0xD0000000, s2;
	s6 =	simm.s32 $0x108;
	_ =	swait.ge @!p0 [sflag:s8], $0x0  }
0x24: {  	s3 =	sadd.s32 $0x88, s3;
	s6 =	simm.s32 @!p1 $0x1082;
	[sflag:s4] =	ssyncset.s32 $0xFFFFF086  }
0x25: {  	[simem:s6], [sflag:s4] =	dma.local [hbm:s3], $0xF7A  }
0x26: {  	[smem:$0x3F9B] =	sst s1;
	(tag) =	ssettag s2;
	_ =	strace s9  }
0x27: {  	s1 =	sld [smem:$0x3FAB]  }
0x28: {  	s2 =	sld [smem:$0x3FAC]  }
0x29: {  	s4 =	sld [smem:$0x3FAE]  }
0x2a: {  	p0 =	seq.s32 s5, $0x0;
	s5 =	sld [smem:$0x3FAF]  }
0x2b: {  	s6 =	sld [smem:$0x3FB0]  }
0x2c: {  	s7 =	sld [smem:$0x3FB1]  }
0x2d: {  	s3 =	simm.s32 $0x108;
	s8 =	sld [smem:$0x3FB2]  }
0x2e: {  	s3 =	simm.s32 @!p0 $0x1082;
	s9 =	sld [smem:$0x3FB3]  }
0x2f: {  	lr =	sadd.s32 s0, s3;
	s0 =	sld [smem:$0x3FAA]  }
0x30: {  	s3 =	sld [smem:$0x3FAD]  }
0x31: {  	[smem:$0x3FB6] =	sst s10  }
0x32: {  	s10 =	sld [smem:$0x3FB4];
	_ =	sdelay $0x3  }
0x33: {  	p0 =	seq.s32 s10, $0x1;
	s10 =	sld [smem:$0x3FB6];
	_ =	sdelay $0x3  }
0x34: {  	[smem:$0x3FB6] =	sst s10  }
0x35: {  	s10 =	sld [smem:$0x3FB5];
	_ =	sdelay $0x3  }
0x36: {  	p1 =	seq.s32 s10, $0x1;
	s10 =	sld [smem:$0x3FB6];
	_ =	sdelay $0x3  }
0x37: {  	[smem:$0x3FB6] =	sst s10  }
0x38: {  	s10 =	sld [smem:$0x3FB7]  }
0x39: {  	_ = 	snop;
	(pc) =	sbr.ind lr, $3  }
0x3a: {  	_ = 	snop  }
0x3b: {  	_ = 	snop  }
0x3c: {  	p2 =	seq.s32 s10, $0x1;
	s10 =	sld [smem:$0x3FB6]  }
0x3d: {  	_ =	shalt  }
0x3e: {  	_ =	shalt  }
0x3f: {  	_ =	shalt  }
0x40: {  	_ =	shalt  }
0x41: {  	_ =	shalt  }
0x42: {  	_ =	shalt  }
0x43: {  	_ =	shalt  }
0x44: {  	_ =	shalt  }
0x45: {  	_ =	shalt  }
0x46: {  	_ =	shalt  }
0x47: {  	_ =	shalt  }
0x48: {  	_ =	shalt  }
0x49: {  	_ =	shalt  }
0x4a: {  	_ =	shalt  }
0x4b: {  	_ =	shalt  }
0x4c: {  	_ =	shalt  }
0x4d: {  	_ =	shalt  }
0x4e: {  	_ =	shalt  }
0x4f: {  	_ =	shalt  }
0x50: {  	_ =	shalt  }
0x51: {  	_ =	shalt  }
0x52: {  	_ =	shalt  }
0x53: {  	_ =	shalt  }
0x54: {  	_ =	shalt  }
0x55: {  	_ =	shalt  }
0x56: {  	_ =	shalt  }
0x57: {  	_ =	shalt  }
0x58: {  	_ =	shalt  }
0x59: {  	_ =	shalt  }
0x5a: {  	_ =	shalt  }
0x5b: {  	_ =	shalt  }
0x5c: {  	_ =	shalt  }
0x5d: {  	_ =	shalt  }
0x5e: {  	_ =	shalt  }
0x5f: {  	_ =	shalt  }
0x60: {  	_ =	shalt  }
0x61: {  	_ =	shalt  }
0x62: {  	_ =	shalt  }
0x63: {  	_ =	shalt  }
0x64: {  	_ =	shalt  }
0x65: {  	_ =	shalt  }
0x66: {  	_ =	shalt  }
0x67: {  	_ =	shalt  }
0x68: {  	_ =	shalt  }
0x69: {  	_ =	shalt  }
0x6a: {  	_ =	shalt  }
0x6b: {  	_ =	shalt  }
0x6c: {  	_ =	shalt  }
0x6d: {  	_ =	shalt  }
0x6e: {  	_ =	shalt  }
0x6f: {  	_ =	shalt  }
0x70: {  	_ =	shalt  }
0x71: {  	_ =	shalt  }
0x72: {  	_ =	shalt  }
0x73: {  	_ =	shalt  }
0x74: {  	_ =	shalt  }
0x75: {  	_ =	shalt  }
0x76: {  	_ =	shalt  }
0x77: {  	_ =	shalt  }
0x78: {  	_ =	shalt  }
0x79: {  	_ =	shalt  }
0x7a: {  	_ =	shalt  }
0x7b: {  	_ =	shalt  }
0x7c: {  	_ =	shalt  }
0x7d: {  	_ =	shalt  }
0x7e: {  	_ =	shalt  }
0x7f: {  	_ =	shalt  }
0x80: {  	_ =	shalt  }
0x81: {  	_ =	shalt  }
0x82: {  	_ =	shalt  }
0x83: {  	_ =	shalt  }
0x84: {  	_ =	shalt  }
0x85: {  	_ =	shalt  }
0x86: {  	_ =	shalt  }
0x87: {  	_ =	shalt  }
.Lfunc_end0:
.L_simem_size_0:
called_computation.1_lowered:
.L_overlay_start_0:
0x88: {  	s2 =	sld [smem:$0x3FD9]  }
0x89: {  	s3 =	sld [smem:$0x3FFE];
	_ =	sdelay $0x1  }
0x8a: {  	s1 =	srdreg.scid  }
0x8b: {  	s0 =	sand.u32 $0x1, s1  }
0x8c: {  	s17 =	sshll.u32 s0, $0xA;
	s2 =	sadd.s32 s3, s2  }
0x8d: {  	s2 =	sadd.s32 s2, s17  }
0x8e: {  	[smem:$0x3FC2] =	sst s2  }
0x8f: {  	_ = 	snop  }
0x90: {  	s2 =	sld [smem:$0x3FD0];
	(tm) =	ssettm $0x1  }
0x91: {  	s18 =	sld [smem:$0x3FFB];
	_ =	sdelay $0x3  }
0x92: {  	_ =	strace s18  }
0x93: {  	s3 =	sld [smem:$0x3FFC];
	_ =	sdelay $0x3  }
0x94: {  	_ =	strace s3  }
0x95: {  	s3 =	sld [smem:$0x3FFD];
	_ =	sdelay $0x3  }
0x96: {  	_ =	strace s3  }
0x97: {  	_ =	strace $0x8FFFFFFF  }
0x98: {  	s19 =	sld [smem:$0x3FDB];
	_ =	sdelay $0x1  }
0x99: {  	s4 =	simm.s32 $_scs_section_size  }
0x9a: {  	s5 =	simm.s32 $_size__tile_overlayer_lowered;
	s6 =	simm.s32 $_tile_overlayer_lowered  }
0x9b: {  	s22 =	simm.s32 $0x1BFF;
	s21 =	sshll.u32 s6, $0x1;
	s3 =	sadd.s32 s4, s19  }
0x9c: {  	s7 =	simm.s32 $0x0;
	s20 =	sshll.u32 s5, $0x1;
	s5 =	sadd.s32 s21, s3  }
0x9d: {  	[timem:s7], [sflag:s22] =	dma.local [hbm:s5], s20  }
0x9e: {  	_ =	swait.ge [sflag:s22], s20  }
0x9f: {  	s4 =	ssub.s32 $0x0, s20;
	[sflag:s22] =	ssyncset.done $0x0  }
0xa0: {  	[sflag:s22] =	ssyncadd.s32 s4;
	_ =	sdelay $0x1  }
0xa1: {  	s23 =	simm.s32 $0x1B8B  }
0xa2: {  	_ =	swait.ge [sflag:s23], $0x1  }
0xa3: {  	[sflag:s23] =	ssyncset.done $0x0  }
0xa4: {  	s25 =	simm.s32 $0x1B8E;
	s24 =	sld [smem:$0x3FFE];
	[sflag:s23] =	ssyncadd.s32 $0xFFFFFFFF  }
0xa5: {  	s26 =	simm.s32 $execute0_lowered;
	[smem:$0x3FD2] =	sst s25  }
0xa6: {  	s5 =	sshll.u32 s26, $0x1;
	_ =	strace $0x80000049;
	[dreg:$0x1] =	wrdreg $0xFFFFFFFF  }
0xa7: {  	s28 =	simm.s32 $_size_execute0_lowered;
	s3 =	sadd.s32 s3, s5;
	[dreg:$0x0] =	wrdreg $0x0  }
0xa8: {  	s5 =	sshll.u32 s28, $0x1;
	[dreg:$0x2] =	wrdreg s3  }
0xa9: {  	[dreg:$0x3] =	wrdreg s5  }
0xaa: {  	[dreg:$0x4] =	wrdreg $0xC0  }
0xab: {  	_ =	task [dreg:s7], $0x5FFFF  }
0xac: {  	[dreg:$0x1] =	wrdreg $0xFFFFFFFF  }
0xad: {  	[dreg:$0x0] =	wrdreg $0x60  }
0xae: {  	[dreg:$0x2] =	wrdreg s2  }
0xaf: {  	[dreg:$0x3] =	wrdreg s24  }
0xb0: {  	[dreg:$0x4] =	wrdreg $0xA8000  }
0xb1: {  	[dreg:$0x5] =	wrdreg $0x9  }
0xb2: {  	_ =	task.clear_ibuf [dreg:s7], $0x6FFFF;
	_ =	strace $0x90000049  }
0xb3: {  	s29 =	simm.s32 $0x9;
	_ =	strace $0x8000004B  }
0xb4: {  	_ =	swait.ge [sflag:s29], $0x1  }
0xb5: {  	[sflag:s29] =	ssyncadd.s32 $0xFFFFFFFF  }
0xb6: {  	_ =	strace $0x9000004B  }
0xb7: {  	_ =	sfence  }
0xb8: {  	s30 =	sld [smem:$0x0];
	_ =	sdelay $0x2  }
0xb9: {  	s31 =	sshll.u32 s1, $0xD;
	s1 =	sshrl.u32 s1, $0x2  }
0xba: {  	s3 =	sand.u32 $0x4000, s31;
	s1 =	sadd.s32 s1, s30  }
0xbb: {  	s0 =	sor.u32 s3, s0;
	s1 =	sshll.u32 s1, $0x11  }
0xbc: {  	s0 =	sor.u32 s1, s0  }
0xbd: {  	s0 =	sadd.s32 $0x8F2B, s0  }
0xbe: {  	[sflag:s0] =	ssyncadd.remote.s32 $0x1  }
0xbf: {  	_ =	sfence.sel $0xFFFF  }
0xc0: {  	[dreg:$0x0] =	wrdreg $0xFFFFFFFF;
	(pc) =	sbr.abs _section_cstart, $3  }
0xc1: {  	[dreg:$0x1] =	wrdreg $0xFFFFFFFF  }
0xc2: {  	_ =	task.clear_ibuf [dreg:s7], $0x2FFFF;
	_ =	strace $0x9FFFFFFF  }
0xc3: {  	(tm) =	ssettm $0x7FFFFFFF  }
tec
execute0_lowered:
.L_overlay_start_1:
0x0: {  	(tag) =	ssettag $0x1  }
0x1: {  	s1 =	rddreg [dreg:$0x0]  }
0x2: {  	s5 =	rddreg [dreg:$0x1]  }
0x3: {  	s2 =	rddreg [dreg:$0x2]  }
0x4: {  	s0 =	rddreg [dreg:$0x3]  }
0x5: {  	s3 =	simm.s32 $0x0;
	s4 =	srdreg.scid;
	s11 =	stileid.u32  }
0x6: {  	s15 =	simm.s32 $0x2800;
	s16 =	simm.s32 $0x6800;
	s17 =	simm.s32 $0x1  }
0x7: {  	s18 =	simm.s32 $0x2;
	s19 =	simm.s32 $0x1380;
	s20 =	simm.s32 $0x2700  }
0x8: {  	s21 =	simm.s32 $0x2780;
	s22 =	simm.s32 $0x0;
	[smem:$0x7FF] =	sst s3  }
0x9: {  	s6 =	sand.u32 $0x1, s4;
	s28 =	sshll.u32 s11, $0x1;
	s9 =	sadd.s32 $0xC800, s5  }
0xa: {  	s10 =	sadd.s32 $0x2800, s5;
	s7 =	smul.u32 $0x28000, s6;
	s8 =	sor.u32 s6, s28  }
0xb: {  	s4 =	sadd.s32 $0x16800, s5;
	p0 =	sne.s32 s11, $0x0;
	s12 =	smul.u32 $0x2800, s8  }
0xc: {  	_ =	strace $0x8000004A;
	s6 =	ssub.s32 $0x2, s6;
	s8 =	smul.u32 $0x500, s8  }
0xd: {  	s11 =	sshrl.u32 @!p0 s2, $0x3;
	s29 =	sshrl.u32 s6, $0x1;
	s13 =	sadd.s32 s7, s5  }
0xe: {  	s31 =	ssub.s32 s6, s29;
	s30 =	sshrl.u32 s12, $0x3;
	s5 =	sadd.s32 s9, s8  }
0xf: {  	s6 =	sadd.s32 s10, s8;
	s12 =	simm.s32 $0x3;
	s14 =	sadd.s32 $0x280, s30  }
0x10: {  	s7 =	sadd.s32 s9, s14;
	s8 =	sadd.s32 s10, s14;
	s9 =	sadd.s32 $0x3E800, s13  }
0x11: {  	s10 =	smax.u32 s31, $0x1;
	s13 =	simm.s32 $0x1400;
	s14 =	simm.s32 $0x80  }
.LBB2_1:
0x12: {  	s23 =	simm.s32 @!p0 $0x1C03  }
0x13: {  	[spmem:s11], [sflag:s23] =	dma.local @!p0 [hbm:s4], $0x28000  }
0x14: {  	s23 =	simm.s32 @!p0 $0x3  }
0x15: {  	_ =	swait.ge @!p0 [sflag:s23], $0x28000  }
0x16: {  	[sflag:s23] =	ssyncset.done @!p0 $0x0  }
0x17: {  	[sflag:s23] =	ssyncadd.s32 @!p0 $0xFFFD8000  }
0x18: {  	[bflag:$0x0] =	sbarrier.arrive $0xFFFF  }
0x19: {  	[tilespmem:s3], [sflag:$0x3] =	stream.linear.gather [hbm4b:s5+s3], $0x1400, $0x38;
	[tilespmem:$0x1E800] =	vst v63  }
0x1a: {  	_ =	swait.ge [sflag:s12], $0x1400  }
0x1b: {  	[sflag:s12] =	ssyncset.done $0x0  }
0x1c: {  	[sflag:s12] =	ssyncadd.s32 $0xFFFFEC00  }
0x1d: {  	[tilespmem:s13], [sflag:$0x3] =	stream.linear.gather [hbm4b:s6+s3], $0x1400, $0x38;
	[tilespmem:$0x1E800] =	vst v63  }
0x1e: {  	_ =	swait.ge [sflag:s12], $0x1400  }
0x1f: {  	[sflag:s12] =	ssyncset.done $0x0  }
0x20: {  	[sflag:s12] =	ssyncadd.s32 $0xFFFFEC00  }
0x21: {  	[tilespmem:s15], [sflag:$0x1] =	stream.indirect.gather [hbm4b:s1+s14], $0x80, s3, s14, $0xb8;
	[tilespmem:$0x1E800] =	vst v63  }
0x22: {  	s28 =	simm.s32 $0x80  }
0x23: {  	[tilespmem:s16], [sflag:$0x2] =	stream.indirect.gather [hbm4b:s1+s14], $0x80, s28, s14, $0xb8;
	[tilespmem:$0x1E800] =	vst v63  }
0x24: {  	_ =	swait.ge [sflag:s17], $0x4000  }
0x25: {  	[sflag:s17] =	ssyncset.done $0x0  }
0x26: {  	s29 =	simm.s32 $0x1400;
	[sflag:s17] =	ssyncadd.s32 $0xFFFFC000  }
0x27: {  	[spmem:s2] =	stream.indirect.scatter.add.f32 [tilespmem:s15], [sflag:$0x3], $0x80, s29, s14, $0xb8;
	[tilespmem:$0x1E800] =	vst v63  }
0x28: {  	_ =	swait.ge [sflag:s12], $0x4000  }
0x29: {  	[sflag:s12] =	ssyncset.done $0x0  }
0x2a: {  	s30 =	simm.s32 $0x100;
	[sflag:s12] =	ssyncadd.s32 $0xFFFFC000  }
0x2b: {  	[tilespmem:s15], [sflag:$0x1] =	stream.indirect.gather [hbm4b:s1+s14], $0x80, s30, s14, $0xb8;
	[tilespmem:$0x1E800] =	vst v63  }
0x2c: {  	_ =	swait.ge [sflag:s18], $0x4000  }
0x2d: {  	[sflag:s18] =	ssyncset.done $0x0  }
0x2e: {  	s31 =	simm.s32 $0x1480;
	[sflag:s18] =	ssyncadd.s32 $0xFFFFC000  }
0x2f: {  	[spmem:s2] =	stream.indirect.scatter.add.f32 [tilespmem:s16], [sflag:$0x3], $0x80, s31, s14, $0xb8;
	[tilespmem:$0x1E800] =	vst v63  }
0x30: {  	_ =	swait.ge [sflag:s12], $0x4000  }
0x31: {  	s24 =	simm.s32 $0x800;
	s23 =	simm.s32 $0x100;
	[sflag:s12] =	ssyncset.done $0x0  }
.LBB2_2:
0x32: {  	s25 =	sadd.s32 $0x80, s23  }
0x33: {  	[sflag:s12] =	ssyncadd.s32 $0xFFFFC000;
	s26 =	smov.u32 s24;
	s28 =	sadd.s32 $0x400, s24  }
0x34: {  	[tilespmem:s16], [sflag:$0x2] =	stream.indirect.gather [hbm4b:s1+s14], $0x80, s25, s14, $0xb8;
	[tilespmem:$0x1E800] =	vst v63  }
0x35: {  	p1 =	sne.s32 s24, $0x4800;
	_ =	swait.ge [sflag:s17], $0x4000  }
0x36: {  	[sflag:s17] =	ssyncset.done $0x0  }
0x37: {  	s24 =	sadd.s32 $0x1400, s23;
	[sflag:s17] =	ssyncadd.s32 $0xFFFFC000  }
0x38: {  	[spmem:s2] =	stream.indirect.scatter.add.f32 [tilespmem:s15], [sflag:$0x3], $0x80, s24, s14, $0xb8;
	[tilespmem:$0x1E800] =	vst v63  }
0x39: {  	_ =	swait.ge [sflag:s12], $0x4000  }
0x3a: {  	[sflag:s12] =	ssyncset.done $0x0  }
0x3b: {  	s24 =	sadd.s32 $0x100, s23;
	[sflag:s12] =	ssyncadd.s32 $0xFFFFC000  }
0x3c: {  	[tilespmem:s15], [sflag:$0x1] =	stream.indirect.gather [hbm4b:s1+s14], $0x80, s24, s14, $0xb8;
	[tilespmem:$0x1E800] =	vst v63  }
0x3d: {  	_ =	swait.ge [sflag:s18], $0x4000  }
.Ltmp0:
0x3e: {  	[sflag:s18] =	ssyncset.done $0x0;
	(pc) =	sbr.rel @p1 .LBB2_2-.Ltmp0, $4  }
0x3f: {  	s23 =	sadd.s32 $0x1480, s23;
	[sflag:s18] =	ssyncadd.s32 $0xFFFFC000  }
0x40: {  	[spmem:s2] =	stream.indirect.scatter.add.f32 [tilespmem:s16], [sflag:$0x3], $0x80, s23, s14, $0xb8;
	[tilespmem:$0x1E800] =	vst v63  }
0x41: {  	_ =	swait.ge [sflag:s12], $0x4000  }
0x42: {  	s24 =	smov.u32 s28;
	s23 =	sshra.s32 s26, $0x2;
	[sflag:s12] =	ssyncset.done $0x0  }
0x43: {  	s24 =	sadd.s32 $0x80, s23;
	[sflag:s12] =	ssyncadd.s32 $0xFFFFC000  }
0x44: {  	[tilespmem:s16], [sflag:$0x2] =	stream.indirect.gather [hbm4b:s1+s14], $0x80, s24, s14, $0xb8;
	[tilespmem:$0x1E800] =	vst v63  }
0x45: {  	_ =	swait.ge [sflag:s17], $0x4000  }
0x46: {  	[sflag:s17] =	ssyncset.done $0x0  }
0x47: {  	s30 =	sadd.s32 $0x1400, s23;
	[sflag:s17] =	ssyncadd.s32 $0xFFFFC000  }
0x48: {  	[spmem:s2] =	stream.indirect.scatter.add.f32 [tilespmem:s15], [sflag:$0x3], $0x80, s30, s14, $0xb8;
	[tilespmem:$0x1E800] =	vst v63  }
0x49: {  	_ =	swait.ge [sflag:s12], $0x4000  }
0x4a: {  	[sflag:s12] =	ssyncset.done $0x0  }
0x4b: {  	s31 =	sadd.s32 $0x100, s23;
	[sflag:s12] =	ssyncadd.s32 $0xFFFFC000  }
0x4c: {  	[tilespmem:s15], [sflag:$0x1] =	stream.indirect.gather [hbm4b:s1+s14], $0x80, s31, s14, $0xb8;
	[tilespmem:$0x1E800] =	vst v63  }
0x4d: {  	_ =	swait.ge [sflag:s18], $0x4000  }
0x4e: {  	[sflag:s18] =	ssyncset.done $0x0  }
0x4f: {  	s25 =	sadd.s32 $0x1480, s23;
	[sflag:s18] =	ssyncadd.s32 $0xFFFFC000  }
0x50: {  	[spmem:s2] =	stream.indirect.scatter.add.f32 [tilespmem:s16], [sflag:$0x3], $0x80, s25, s14, $0xb8;
	[tilespmem:$0x1E800] =	vst v63  }
0x51: {  	_ =	swait.ge [sflag:s12], $0x4000  }
0x52: {  	[sflag:s12] =	ssyncset.done $0x0  }
0x53: {  	[sflag:s12] =	ssyncadd.s32 $0xFFFFC000  }
0x54: {  	[tilespmem:s16], [sflag:$0x2] =	stream.indirect.gather [hbm4b:s1+s14], $0x80, s19, s14, $0xb8;
	[tilespmem:$0x1E800] =	vst v63  }
0x55: {  	_ =	swait.ge [sflag:s17], $0x4000  }
0x56: {  	[sflag:s17] =	ssyncset.done $0x0  }
0x57: {  	[sflag:s17] =	ssyncadd.s32 $0xFFFFC000  }
0x58: {  	[spmem:s2] =	stream.indirect.scatter.add.f32 [tilespmem:s15], [sflag:$0x3], $0x80, s20, s14, $0xb8;
	[tilespmem:$0x1E800] =	vst v63  }
0x59: {  	_ =	swait.ge [sflag:s12], $0x4000  }
0x5a: {  	[sflag:s12] =	ssyncset.done $0x0  }
0x5b: {  	[sflag:s12] =	ssyncadd.s32 $0xFFFFC000  }
0x5c: {  	_ =	swait.ge [sflag:s18], $0x4000  }
0x5d: {  	[sflag:s18] =	ssyncset.done $0x0  }
0x5e: {  	[sflag:s18] =	ssyncadd.s32 $0xFFFFC000  }
0x5f: {  	[spmem:s2] =	stream.indirect.scatter.add.f32 [tilespmem:s16], [sflag:$0x3], $0x80, s21, s14, $0xb8;
	[tilespmem:$0x1E800] =	vst v63  }
0x60: {  	_ =	swait.ge [sflag:s12], $0x4000  }
0x61: {  	[sflag:s12] =	ssyncset.done $0x0  }
0x62: {  	s26 =	simm.s32 $0x0;
	[sflag:s12] =	ssyncadd.s32 $0xFFFFC000  }
0x63: {  	[tilespmem:s26], [sflag:$0x3] =	stream.linear.gather [hbm4b:s7+s26], $0x1400, $0x38;
	[tilespmem:$0x1E800] =	vst v63  }
0x64: {  	_ =	swait.ge [sflag:s12], $0x1400  }
0x65: {  	[sflag:s12] =	ssyncset.done $0x0  }
0x66: {  	[sflag:s12] =	ssyncadd.s32 $0xFFFFEC00  }
0x67: {  	[tilespmem:s13], [sflag:$0x3] =	stream.linear.gather [hbm4b:s8+s26], $0x1400, $0x38;
	[tilespmem:$0x1E800] =	vst v63  }
0x68: {  	_ =	swait.ge [sflag:s12], $0x1400  }
0x69: {  	[sflag:s12] =	ssyncset.done $0x0  }
0x6a: {  	[sflag:s12] =	ssyncadd.s32 $0xFFFFEC00  }
0x6b: {  	[tilespmem:s15], [sflag:$0x1] =	stream.indirect.gather [hbm4b:s1+s14], $0x80, s26, s14, $0xb8;
	[tilespmem:$0x1E800] =	vst v63  }
0x6c: {  	s28 =	simm.s32 $0x80  }
0x6d: {  	[tilespmem:s16], [sflag:$0x2] =	stream.indirect.gather [hbm4b:s1+s14], $0x80, s28, s14, $0xb8;
	[tilespmem:$0x1E800] =	vst v63  }
0x6e: {  	_ =	swait.ge [sflag:s17], $0x4000  }
0x6f: {  	[sflag:s17] =	ssyncset.done $0x0  }
0x70: {  	s29 =	simm.s32 $0x1400;
	[sflag:s17] =	ssyncadd.s32 $0xFFFFC000  }
0x71: {  	[spmem:s2] =	stream.indirect.scatter.add.f32 [tilespmem:s15], [sflag:$0x3], $0x80, s29, s14, $0xb8;
	[tilespmem:$0x1E800] =	vst v63  }
0x72: {  	_ =	swait.ge [sflag:s12], $0x4000  }
0x73: {  	[sflag:s12] =	ssyncset.done $0x0  }
0x74: {  	s30 =	simm.s32 $0x100;
	[sflag:s12] =	ssyncadd.s32 $0xFFFFC000  }
0x75: {  	[tilespmem:s15], [sflag:$0x1] =	stream.indirect.gather [hbm4b:s1+s14], $0x80, s30, s14, $0xb8;
	[tilespmem:$0x1E800] =	vst v63  }
0x76: {  	_ =	swait.ge [sflag:s18], $0x4000  }
0x77: {  	[sflag:s18] =	ssyncset.done $0x0  }
0x78: {  	s31 =	simm.s32 $0x1480;
	[sflag:s18] =	ssyncadd.s32 $0xFFFFC000  }
0x79: {  	[spmem:s2] =	stream.indirect.scatter.add.f32 [tilespmem:s16], [sflag:$0x3], $0x80, s31, s14, $0xb8;
	[tilespmem:$0x1E800] =	vst v63  }
0x7a: {  	_ =	swait.ge [sflag:s12], $0x4000  }
0x7b: {  	s23 =	simm.s32 $0x100;
	s24 =	simm.s32 $0x800;
	[sflag:s12] =	ssyncset.done $0x0  }
.LBB2_4:
0x7c: {  	s25 =	sadd.s32 $0x80, s23  }
0x7d: {  	[sflag:s12] =	ssyncadd.s32 $0xFFFFC000;
	s26 =	smov.u32 s24;
	s28 =	sadd.s32 $0x400, s24  }
0x7e: {  	[tilespmem:s16], [sflag:$0x2] =	stream.indirect.gather [hbm4b:s1+s14], $0x80, s25, s14, $0xb8;
	[tilespmem:$0x1E800] =	vst v63  }
0x7f: {  	p1 =	sne.s32 s24, $0x4800;
	_ =	swait.ge [sflag:s17], $0x4000  }
0x80: {  	[sflag:s17] =	ssyncset.done $0x0  }
0x81: {  	s24 =	sadd.s32 $0x1400, s23;
	[sflag:s17] =	ssyncadd.s32 $0xFFFFC000  }
0x82: {  	[spmem:s2] =	stream.indirect.scatter.add.f32 [tilespmem:s15], [sflag:$0x3], $0x80, s24, s14, $0xb8;
	[tilespmem:$0x1E800] =	vst v63  }
0x83: {  	_ =	swait.ge [sflag:s12], $0x4000  }
0x84: {  	[sflag:s12] =	ssyncset.done $0x0  }
0x85: {  	s24 =	sadd.s32 $0x100, s23;
	[sflag:s12] =	ssyncadd.s32 $0xFFFFC000  }
0x86: {  	[tilespmem:s15], [sflag:$0x1] =	stream.indirect.gather [hbm4b:s1+s14], $0x80, s24, s14, $0xb8;
	[tilespmem:$0x1E800] =	vst v63  }
0x87: {  	_ =	swait.ge [sflag:s18], $0x4000  }
.Ltmp1:
0x88: {  	[sflag:s18] =	ssyncset.done $0x0;
	(pc) =	sbr.rel @p1 .LBB2_4-.Ltmp1, $4  }
0x89: {  	s23 =	sadd.s32 $0x1480, s23;
	[sflag:s18] =	ssyncadd.s32 $0xFFFFC000  }
0x8a: {  	[spmem:s2] =	stream.indirect.scatter.add.f32 [tilespmem:s16], [sflag:$0x3], $0x80, s23, s14, $0xb8;
	[tilespmem:$0x1E800] =	vst v63  }
0x8b: {  	_ =	swait.ge [sflag:s12], $0x4000  }
0x8c: {  	s24 =	smov.u32 s28;
	s23 =	sshra.s32 s26, $0x2;
	[sflag:s12] =	ssyncset.done $0x0  }
0x8d: {  	s24 =	sadd.s32 $0x80, s23;
	[sflag:s12] =	ssyncadd.s32 $0xFFFFC000  }
0x8e: {  	[tilespmem:s16], [sflag:$0x2] =	stream.indirect.gather [hbm4b:s1+s14], $0x80, s24, s14, $0xb8;
	[tilespmem:$0x1E800] =	vst v63  }
0x8f: {  	_ =	swait.ge [sflag:s17], $0x4000  }
0x90: {  	[sflag:s17] =	ssyncset.done $0x0  }
0x91: {  	s29 =	sadd.s32 $0x1400, s23;
	[sflag:s17] =	ssyncadd.s32 $0xFFFFC000  }
0x92: {  	[spmem:s2] =	stream.indirect.scatter.add.f32 [tilespmem:s15], [sflag:$0x3], $0x80, s29, s14, $0xb8;
	[tilespmem:$0x1E800] =	vst v63  }
0x93: {  	_ =	swait.ge [sflag:s12], $0x4000  }
0x94: {  	[sflag:s12] =	ssyncset.done $0x0  }
0x95: {  	s30 =	sadd.s32 $0x100, s23;
	[sflag:s12] =	ssyncadd.s32 $0xFFFFC000  }
0x96: {  	[tilespmem:s15], [sflag:$0x1] =	stream.indirect.gather [hbm4b:s1+s14], $0x80, s30, s14, $0xb8;
	[tilespmem:$0x1E800] =	vst v63  }
0x97: {  	_ =	swait.ge [sflag:s18], $0x4000  }
0x98: {  	[sflag:s18] =	ssyncset.done $0x0  }
0x99: {  	s31 =	sadd.s32 $0x1480, s23;
	[sflag:s18] =	ssyncadd.s32 $0xFFFFC000  }
0x9a: {  	[spmem:s2] =	stream.indirect.scatter.add.f32 [tilespmem:s16], [sflag:$0x3], $0x80, s31, s14, $0xb8;
	[tilespmem:$0x1E800] =	vst v63  }
0x9b: {  	_ =	swait.ge [sflag:s12], $0x4000  }
0x9c: {  	[sflag:s12] =	ssyncset.done $0x0  }
0x9d: {  	[sflag:s12] =	ssyncadd.s32 $0xFFFFC000  }
0x9e: {  	[tilespmem:s16], [sflag:$0x2] =	stream.indirect.gather [hbm4b:s1+s14], $0x80, s19, s14, $0xb8;
	[tilespmem:$0x1E800] =	vst v63  }
0x9f: {  	_ =	swait.ge [sflag:s17], $0x4000  }
0xa0: {  	[sflag:s17] =	ssyncset.done $0x0  }
0xa1: {  	[sflag:s17] =	ssyncadd.s32 $0xFFFFC000  }
0xa2: {  	[spmem:s2] =	stream.indirect.scatter.add.f32 [tilespmem:s15], [sflag:$0x3], $0x80, s20, s14, $0xb8;
	[tilespmem:$0x1E800] =	vst v63  }
0xa3: {  	_ =	swait.ge [sflag:s12], $0x4000  }
0xa4: {  	[sflag:s12] =	ssyncset.done $0x0  }
0xa5: {  	[sflag:s12] =	ssyncadd.s32 $0xFFFFC000  }
0xa6: {  	_ =	swait.ge [sflag:s18], $0x4000  }
0xa7: {  	[sflag:s18] =	ssyncset.done $0x0  }
0xa8: {  	[sflag:s18] =	ssyncadd.s32 $0xFFFFC000  }
0xa9: {  	[spmem:s2] =	stream.indirect.scatter.add.f32 [tilespmem:s16], [sflag:$0x3], $0x80, s21, s14, $0xb8;
	[tilespmem:$0x1E800] =	vst v63  }
0xaa: {  	_ =	swait.ge [sflag:s12], $0x4000  }
0xab: {  	[sflag:s12] =	ssyncset.done $0x0  }
0xac: {  	s22 =	sadd.s32 $0x1, s22;
	[sflag:s12] =	ssyncadd.s32 $0xFFFFC000  }
0xad: {  	s23 =	simm.s32 @!p0 $0x1C03;
	p1 =	sne.s32 s22, s10;
	[bflag:$0x0] =	sbarrier.arrive $0xFFFF  }
0xae: {  	[hbm:s9], [sflag:s23] =	dma.local @!p0 [spmem:s11], $0x28000  }
.Ltmp2:
0xaf: {  	_ = 	snop;
	(pc) =	sbr.rel @p1 .LBB2_1-.Ltmp2, $4  }
0xb0: {  	s23 =	simm.s32 @!p0 $0x3  }
0xb1: {  	_ =	swait.ge @!p0 [sflag:s23], $0x28000  }
0xb2: {  	[sflag:s23] =	ssyncset.done @!p0 $0x0  }
0xb3: {  	[sflag:s23] =	ssyncadd.s32 @!p0 $0xFFFD8000  }
0xb4: {  	_ =	sfence.sel $0x180000  }
0xb5: {  	[bflag:$0x0] =	sbarrier.arrive $0xFFFF  }
0xb6: {  	_ =	strace $0x9000004A  }
0xb7: {  	s0 =	sadd.s32 @!p0 $0x100000, s0;
	[bflag:$0x2] =	sbarrier.arrive $0xFFFF  }
0xb8: {  	[sflag:s0] =	ssyncadd.tile.s32 @!p0 $0x1;
	_ =	shalt  }
.Lfunc_end2:
_tile_overlayer_lowered:
.L_overlay_start_2:
0xb9: {  	(tag) =	ssettag $0x2  }
0xba: {  	s0 =	rddreg [dreg:$0x0];
	s2 =	stileid.u32  }
0xbb: {  	s1 =	rddreg [dreg:$0x1];
	p0 =	sne.s32 s2, $0x0  }
0xbc: {  	s3 =	rddreg [dreg:$0x2];
	[bflag:$0x3] =	sbarrier.arrive $0xFFFF;
	s2 =	simm.s32 @!p0 $0x1C03  }
0xbd: {  	[timem:s3], [sflag:s2] =	dma.local @!p0 [hbm:s0], s1  }
0xbe: {  	s0 =	simm.s32 @!p0 $0x3  }
0xbf: {  	_ =	swait.ge @!p0 [sflag:s0], s1  }
0xc0: {  	s1 =	ssub.s32 @!p0 $0x0, s1;
	[sflag:s0] =	ssyncset.done @!p0 $0x0  }
0xc1: {  	[sflag:s0] =	ssyncadd.s32 @!p0 s1  }
0xc2: {  	[bflag:$0x3] =	sbarrier.arrive $0xFFFF  }
0xc3: {  	_ =	shalt  }

// kernel: kernel.14.cloned.1.call-start
scs
__scs_entry_jumppad:
0x0: {  	(pc) =	sbr.rel $0x88, $3  }
0x1: {  	(tag) =	ssettag $0x0;
	lr =	simm.s32 $0x1  }
0x2: {  	[smem:$0x3F9B] =	sst lr;
	_ =	strace $0xD0000000  }
0x3: {  	_ = 	snop  }
0x4: {  	_ = 	snop  }
0x5: {  	_ = 	snop  }
0x6: {  	_ = 	snop  }
0x7: {  	_ = 	snop  }
__scs_overlays_trampoline_lowered:
0x8: {  	[smem:$0x3FAA] =	sst s0  }
0x9: {  	[smem:$0x3FAB] =	sst s1  }
0xa: {  	[smem:$0x3FAC] =	sst s2  }
0xb: {  	[smem:$0x3FAD] =	sst s3  }
0xc: {  	[smem:$0x3FAE] =	sst s4  }
0xd: {  	[smem:$0x3FAF] =	sst s5  }
0xe: {  	[smem:$0x3FB0] =	sst s6  }
0xf: {  	[smem:$0x3FB1] =	sst s7  }
0x10: {  	[smem:$0x3FB2] =	sst s8  }
0x11: {  	[smem:$0x3FB3] =	sst s9;
	s0 =	simm.s32 @!p0 $0x0  }
0x12: {  	s1 =	sld [smem:$0x3F99];
	s0 =	simm.s32 @p0 $0x1  }
0x13: {  	[smem:$0x3FB4] =	sst s0;
	s0 =	simm.s32 @!p1 $0x0  }
0x14: {  	s2 =	sld [smem:$0x3F98];
	s0 =	simm.s32 @p1 $0x1  }
0x15: {  	[smem:$0x3FB5] =	sst s0;
	s0 =	simm.s32 @!p2 $0x0  }
0x16: {  	s3 =	sld [smem:$0x3FDB];
	s0 =	simm.s32 @p2 $0x1  }
0x17: {  	s4 =	simm.s32 $0x1BF5;
	[smem:$0x3FB7] =	sst s0  }
0x18: {  	s0 =	sld [smem:$0x3F9A];
	_ =	swait.ge [sflag:s4], $0x0  }
0x19: {  	s7 =	sld [smem:$0x3F9B]  }
0x1a: {  	s8 =	sadd.s32 $0xFFFFE003, lr  }
0x1b: {  	s9 =	sadd.s32 $0xFFFFFEF7, lr;
	s5 =	simm.s32 $0xFFFFFFFF;
	p2 =	slt.u32 s8, $0xFFFFF086  }
0x1c: {  	p1 =	slt.u32 s9, $0xF7A;
	s5 =	simm.s32 @!p2 $0x0  }
0x1d: {  	s5 =	simm.s32 @p1 $0x1;
	p0 =	seq.s32 s7, s2  }
0x1e: {  	s7 =	smul.u32 @!p0 $0xF7A, s2;
	p2 =	seq.s32 @!p0 s5, $0x0  }
0x1f: {  	s9 =	smul.u32 $0xF7A, s1;
	s8 =	simm.s32 @!p0 $0x1BF5;
	p2 =	por !p2, p0  }
0x20: {  	[sflag:s8] =	ssyncset.s32 @!p0 $0xFFFFF086;
	s6 =	sadd.s32 @!p0 s3, s7;
	s7 =	simm.s32 @!p0 $0x108  }
0x21: {  	s3 =	sadd.s32 s3, s9;
	s6 =	sadd.s32 @!p0 $0x88, s6;
	s7 =	simm.s32 @p2 $0x1082  }
0x22: {  	[simem:s7], [sflag:s8] =	dma.local @!p0 [hbm:s6], $0xF7A  }
0x23: {  	s9 =	sor.u32 $0xD0000000, s2;
	s6 =	simm.s32 $0x108;
	_ =	swait.ge @!p0 [sflag:s8], $0x0  }
0x24: {  	s3 =	sadd.s32 $0x88, s3;
	s6 =	simm.s32 @!p1 $0x1082;
	[sflag:s4] =	ssyncset.s32 $0xFFFFF086  }
0x25: {  	[simem:s6], [sflag:s4] =	dma.local [hbm:s3], $0xF7A  }
0x26: {  	[smem:$0x3F9B] =	sst s1;
	(tag) =	ssettag s2;
	_ =	strace s9  }
0x27: {  	s1 =	sld [smem:$0x3FAB]  }
0x28: {  	s2 =	sld [smem:$0x3FAC]  }
0x29: {  	s4 =	sld [smem:$0x3FAE]  }
0x2a: {  	p0 =	seq.s32 s5, $0x0;
	s5 =	sld [smem:$0x3FAF]  }
0x2b: {  	s6 =	sld [smem:$0x3FB0]  }
0x2c: {  	s7 =	sld [smem:$0x3FB1]  }
0x2d: {  	s3 =	simm.s32 $0x108;
	s8 =	sld [smem:$0x3FB2]  }
0x2e: {  	s3 =	simm.s32 @!p0 $0x1082;
	s9 =	sld [smem:$0x3FB3]  }
0x2f: {  	lr =	sadd.s32 s0, s3;
	s0 =	sld [smem:$0x3FAA]  }
0x30: {  	s3 =	sld [smem:$0x3FAD]  }
0x31: {  	[smem:$0x3FB6] =	sst s10  }
0x32: {  	s10 =	sld [smem:$0x3FB4];
	_ =	sdelay $0x3  }
0x33: {  	p0 =	seq.s32 s10, $0x1;
	s10 =	sld [smem:$0x3FB6];
	_ =	sdelay $0x3  }
0x34: {  	[smem:$0x3FB6] =	sst s10  }
0x35: {  	s10 =	sld [smem:$0x3FB5];
	_ =	sdelay $0x3  }
0x36: {  	p1 =	seq.s32 s10, $0x1;
	s10 =	sld [smem:$0x3FB6];
	_ =	sdelay $0x3  }
0x37: {  	[smem:$0x3FB6] =	sst s10  }
0x38: {  	s10 =	sld [smem:$0x3FB7]  }
0x39: {  	_ = 	snop;
	(pc) =	sbr.ind lr, $3  }
0x3a: {  	_ = 	snop  }
0x3b: {  	_ = 	snop  }
0x3c: {  	p2 =	seq.s32 s10, $0x1;
	s10 =	sld [smem:$0x3FB6]  }
0x3d: {  	_ =	shalt  }
0x3e: {  	_ =	shalt  }
0x3f: {  	_ =	shalt  }
0x40: {  	_ =	shalt  }
0x41: {  	_ =	shalt  }
0x42: {  	_ =	shalt  }
0x43: {  	_ =	shalt  }
0x44: {  	_ =	shalt  }
0x45: {  	_ =	shalt  }
0x46: {  	_ =	shalt  }
0x47: {  	_ =	shalt  }
0x48: {  	_ =	shalt  }
0x49: {  	_ =	shalt  }
0x4a: {  	_ =	shalt  }
0x4b: {  	_ =	shalt  }
0x4c: {  	_ =	shalt  }
0x4d: {  	_ =	shalt  }
0x4e: {  	_ =	shalt  }
0x4f: {  	_ =	shalt  }
0x50: {  	_ =	shalt  }
0x51: {  	_ =	shalt  }
0x52: {  	_ =	shalt  }
0x53: {  	_ =	shalt  }
0x54: {  	_ =	shalt  }
0x55: {  	_ =	shalt  }
0x56: {  	_ =	shalt  }
0x57: {  	_ =	shalt  }
0x58: {  	_ =	shalt  }
0x59: {  	_ =	shalt  }
0x5a: {  	_ =	shalt  }
0x5b: {  	_ =	shalt  }
0x5c: {  	_ =	shalt  }
0x5d: {  	_ =	shalt  }
0x5e: {  	_ =	shalt  }
0x5f: {  	_ =	shalt  }
0x60: {  	_ =	shalt  }
0x61: {  	_ =	shalt  }
0x62: {  	_ =	shalt  }
0x63: {  	_ =	shalt  }
0x64: {  	_ =	shalt  }
0x65: {  	_ =	shalt  }
0x66: {  	_ =	shalt  }
0x67: {  	_ =	shalt  }
0x68: {  	_ =	shalt  }
0x69: {  	_ =	shalt  }
0x6a: {  	_ =	shalt  }
0x6b: {  	_ =	shalt  }
0x6c: {  	_ =	shalt  }
0x6d: {  	_ =	shalt  }
0x6e: {  	_ =	shalt  }
0x6f: {  	_ =	shalt  }
0x70: {  	_ =	shalt  }
0x71: {  	_ =	shalt  }
0x72: {  	_ =	shalt  }
0x73: {  	_ =	shalt  }
0x74: {  	_ =	shalt  }
0x75: {  	_ =	shalt  }
0x76: {  	_ =	shalt  }
0x77: {  	_ =	shalt  }
0x78: {  	_ =	shalt  }
0x79: {  	_ =	shalt  }
0x7a: {  	_ =	shalt  }
0x7b: {  	_ =	shalt  }
0x7c: {  	_ =	shalt  }
0x7d: {  	_ =	shalt  }
0x7e: {  	_ =	shalt  }
0x7f: {  	_ =	shalt  }
0x80: {  	_ =	shalt  }
0x81: {  	_ =	shalt  }
0x82: {  	_ =	shalt  }
0x83: {  	_ =	shalt  }
0x84: {  	_ =	shalt  }
0x85: {  	_ =	shalt  }
0x86: {  	_ =	shalt  }
0x87: {  	_ =	shalt  }
.Lfunc_end0:
.L_simem_size_0:
called_computation.2_lowered:
.L_overlay_start_0:
0x88: {  	s2 =	sld [smem:$0x3FD9]  }
0x89: {  	s3 =	sld [smem:$0x3FFE];
	_ =	sdelay $0x1  }
0x8a: {  	s1 =	srdreg.scid  }
0x8b: {  	s0 =	sand.u32 $0x1, s1  }
0x8c: {  	s17 =	sshll.u32 s0, $0xA;
	s2 =	sadd.s32 s3, s2  }
0x8d: {  	s2 =	sadd.s32 s2, s17  }
0x8e: {  	[smem:$0x3FC2] =	sst s2  }
0x8f: {  	_ = 	snop  }
0x90: {  	s2 =	sld [smem:$0x3FD0];
	(tm) =	ssettm $0x1  }
0x91: {  	s18 =	sld [smem:$0x3FFB];
	_ =	sdelay $0x3  }
0x92: {  	_ =	strace s18  }
0x93: {  	s3 =	sld [smem:$0x3FFC];
	_ =	sdelay $0x3  }
0x94: {  	_ =	strace s3  }
0x95: {  	s3 =	sld [smem:$0x3FFD];
	_ =	sdelay $0x3  }
0x96: {  	_ =	strace s3  }
0x97: {  	_ =	strace $0x8FFFFFFF  }
0x98: {  	s19 =	sld [smem:$0x3FDB];
	_ =	sdelay $0x1  }
0x99: {  	s4 =	simm.s32 $_scs_section_size  }
0x9a: {  	s5 =	simm.s32 $_size__tile_overlayer_lowered;
	s6 =	simm.s32 $_tile_overlayer_lowered  }
0x9b: {  	s22 =	simm.s32 $0x1BFF;
	s21 =	sshll.u32 s6, $0x1;
	s3 =	sadd.s32 s4, s19  }
0x9c: {  	s7 =	simm.s32 $0x0;
	s20 =	sshll.u32 s5, $0x1;
	s5 =	sadd.s32 s21, s3  }
0x9d: {  	[timem:s7], [sflag:s22] =	dma.local [hbm:s5], s20  }
0x9e: {  	_ =	swait.ge [sflag:s22], s20  }
0x9f: {  	s4 =	ssub.s32 $0x0, s20;
	[sflag:s22] =	ssyncset.done $0x0  }
0xa0: {  	[sflag:s22] =	ssyncadd.s32 s4;
	_ =	sdelay $0x1  }
0xa1: {  	s23 =	simm.s32 $0x1B8B  }
0xa2: {  	_ =	swait.ge [sflag:s23], $0x1  }
0xa3: {  	[sflag:s23] =	ssyncset.done $0x0  }
0xa4: {  	s25 =	simm.s32 $0x1B8E;
	s24 =	sld [smem:$0x3FFE];
	[sflag:s23] =	ssyncadd.s32 $0xFFFFFFFF  }
0xa5: {  	s26 =	simm.s32 $execute0_lowered;
	[smem:$0x3FD2] =	sst s25  }
0xa6: {  	s5 =	sshll.u32 s26, $0x1;
	_ =	strace $0x8000004C;
	[dreg:$0x1] =	wrdreg $0xFFFFFFFF  }
0xa7: {  	s28 =	simm.s32 $_size_execute0_lowered;
	s3 =	sadd.s32 s3, s5;
	[dreg:$0x0] =	wrdreg $0x0  }
0xa8: {  	s5 =	sshll.u32 s28, $0x1;
	[dreg:$0x2] =	wrdreg s3  }
0xa9: {  	[dreg:$0x3] =	wrdreg s5  }
0xaa: {  	[dreg:$0x4] =	wrdreg $0xC0  }
0xab: {  	_ =	task [dreg:s7], $0x5FFFF  }
0xac: {  	[dreg:$0x1] =	wrdreg $0xFFFFFFFF  }
0xad: {  	[dreg:$0x0] =	wrdreg $0x60  }
0xae: {  	[dreg:$0x2] =	wrdreg s2  }
0xaf: {  	[dreg:$0x3] =	wrdreg s24  }
0xb0: {  	[dreg:$0x4] =	wrdreg $0xA8000  }
0xb1: {  	[dreg:$0x5] =	wrdreg $0x9  }
0xb2: {  	_ =	task.clear_ibuf [dreg:s7], $0x6FFFF;
	_ =	strace $0x9000004C  }
0xb3: {  	s29 =	simm.s32 $0x9;
	_ =	strace $0x8000004E  }
0xb4: {  	_ =	swait.ge [sflag:s29], $0x1  }
0xb5: {  	[sflag:s29] =	ssyncadd.s32 $0xFFFFFFFF  }
0xb6: {  	_ =	strace $0x9000004E  }
0xb7: {  	_ =	sfence  }
0xb8: {  	s30 =	sld [smem:$0x0];
	_ =	sdelay $0x2  }
0xb9: {  	s31 =	sshll.u32 s1, $0xD;
	s1 =	sshrl.u32 s1, $0x2  }
0xba: {  	s3 =	sand.u32 $0x4000, s31;
	s1 =	sadd.s32 s1, s30  }
0xbb: {  	s0 =	sor.u32 s3, s0;
	s1 =	sshll.u32 s1, $0x11  }
0xbc: {  	s0 =	sor.u32 s1, s0  }
0xbd: {  	s0 =	sadd.s32 $0x8F2B, s0  }
0xbe: {  	[sflag:s0] =	ssyncadd.remote.s32 $0x1  }
0xbf: {  	_ =	sfence.sel $0xFFFF  }
0xc0: {  	[dreg:$0x0] =	wrdreg $0xFFFFFFFF;
	(pc) =	sbr.abs _section_cstart, $3  }
0xc1: {  	[dreg:$0x1] =	wrdreg $0xFFFFFFFF  }
0xc2: {  	_ =	task.clear_ibuf [dreg:s7], $0x2FFFF;
	_ =	strace $0x9FFFFFFF  }
0xc3: {  	(tm) =	ssettm $0x7FFFFFFF  }
tec
execute0_lowered:
.L_overlay_start_1:
0x0: {  	(tag) =	ssettag $0x1  }
0x1: {  	s1 =	rddreg [dreg:$0x0]  }
0x2: {  	s5 =	rddreg [dreg:$0x1]  }
0x3: {  	s2 =	rddreg [dreg:$0x2]  }
0x4: {  	s0 =	rddreg [dreg:$0x3]  }
0x5: {  	s3 =	simm.s32 $0x0;
	s4 =	srdreg.scid;
	s11 =	stileid.u32  }
0x6: {  	s15 =	simm.s32 $0x2800;
	s16 =	simm.s32 $0x6800;
	s17 =	simm.s32 $0x1  }
0x7: {  	s18 =	simm.s32 $0x2;
	s19 =	simm.s32 $0x1380;
	s20 =	simm.s32 $0x2700  }
0x8: {  	s21 =	simm.s32 $0x2780;
	s22 =	simm.s32 $0x0;
	[smem:$0x7FF] =	sst s3  }
0x9: {  	s6 =	sand.u32 $0x1, s4;
	s28 =	sshll.u32 s11, $0x1;
	s9 =	sadd.s32 $0xC800, s5  }
0xa: {  	s10 =	sadd.s32 $0x2800, s5;
	s7 =	smul.u32 $0x28000, s6;
	s8 =	sor.u32 s6, s28  }
0xb: {  	s4 =	sadd.s32 $0x16800, s5;
	p0 =	sne.s32 s11, $0x0;
	s12 =	smul.u32 $0x2800, s8  }
0xc: {  	_ =	strace $0x8000004D;
	s6 =	ssub.s32 $0x2, s6;
	s8 =	smul.u32 $0x500, s8  }
0xd: {  	s11 =	sshrl.u32 @!p0 s2, $0x3;
	s29 =	sshrl.u32 s6, $0x1;
	s13 =	sadd.s32 s7, s5  }
0xe: {  	s31 =	ssub.s32 s6, s29;
	s30 =	sshrl.u32 s12, $0x3;
	s5 =	sadd.s32 s9, s8  }
0xf: {  	s6 =	sadd.s32 s10, s8;
	s12 =	simm.s32 $0x3;
	s14 =	sadd.s32 $0x280, s30  }
0x10: {  	s7 =	sadd.s32 s9, s14;
	s8 =	sadd.s32 s10, s14;
	s9 =	sadd.s32 $0x3E800, s13  }
0x11: {  	s10 =	smax.u32 s31, $0x1;
	s13 =	simm.s32 $0x1400;
	s14 =	simm.s32 $0x80  }
.LBB2_1:
0x12: {  	s23 =	simm.s32 @!p0 $0x1C03  }
0x13: {  	[spmem:s11], [sflag:s23] =	dma.local @!p0 [hbm:s4], $0x28000  }
0x14: {  	s23 =	simm.s32 @!p0 $0x3  }
0x15: {  	_ =	swait.ge @!p0 [sflag:s23], $0x28000  }
0x16: {  	[sflag:s23] =	ssyncset.done @!p0 $0x0  }
0x17: {  	[sflag:s23] =	ssyncadd.s32 @!p0 $0xFFFD8000  }
0x18: {  	[bflag:$0x0] =	sbarrier.arrive $0xFFFF  }
0x19: {  	[tilespmem:s3], [sflag:$0x3] =	stream.linear.gather [hbm4b:s5+s3], $0x1400, $0x38;
	[tilespmem:$0x1E800] =	vst v63  }
0x1a: {  	_ =	swait.ge [sflag:s12], $0x1400  }
0x1b: {  	[sflag:s12] =	ssyncset.done $0x0  }
0x1c: {  	[sflag:s12] =	ssyncadd.s32 $0xFFFFEC00  }
0x1d: {  	[tilespmem:s13], [sflag:$0x3] =	stream.linear.gather [hbm4b:s6+s3], $0x1400, $0x38;
	[tilespmem:$0x1E800] =	vst v63  }
0x1e: {  	_ =	swait.ge [sflag:s12], $0x1400  }
0x1f: {  	[sflag:s12] =	ssyncset.done $0x0  }
0x20: {  	[sflag:s12] =	ssyncadd.s32 $0xFFFFEC00  }
0x21: {  	[tilespmem:s15], [sflag:$0x1] =	stream.indirect.gather [hbm4b:s1+s14], $0x80, s3, s14, $0xb8;
	[tilespmem:$0x1E800] =	vst v63  }
0x22: {  	s28 =	simm.s32 $0x80  }
0x23: {  	[tilespmem:s16], [sflag:$0x2] =	stream.indirect.gather [hbm4b:s1+s14], $0x80, s28, s14, $0xb8;
	[tilespmem:$0x1E800] =	vst v63  }
0x24: {  	_ =	swait.ge [sflag:s17], $0x4000  }
0x25: {  	[sflag:s17] =	ssyncset.done $0x0  }
0x26: {  	s29 =	simm.s32 $0x1400;
	[sflag:s17] =	ssyncadd.s32 $0xFFFFC000  }
0x27: {  	[spmem:s2] =	stream.indirect.scatter.add.f32 [tilespmem:s15], [sflag:$0x3], $0x80, s29, s14, $0xb8;
	[tilespmem:$0x1E800] =	vst v63  }
0x28: {  	_ =	swait.ge [sflag:s12], $0x4000  }
0x29: {  	[sflag:s12] =	ssyncset.done $0x0  }
0x2a: {  	s30 =	simm.s32 $0x100;
	[sflag:s12] =	ssyncadd.s32 $0xFFFFC000  }
0x2b: {  	[tilespmem:s15], [sflag:$0x1] =	stream.indirect.gather [hbm4b:s1+s14], $0x80, s30, s14, $0xb8;
	[tilespmem:$0x1E800] =	vst v63  }
0x2c: {  	_ =	swait.ge [sflag:s18], $0x4000  }
0x2d: {  	[sflag:s18] =	ssyncset.done $0x0  }
0x2e: {  	s31 =	simm.s32 $0x1480;
	[sflag:s18] =	ssyncadd.s32 $0xFFFFC000  }
0x2f: {  	[spmem:s2] =	stream.indirect.scatter.add.f32 [tilespmem:s16], [sflag:$0x3], $0x80, s31, s14, $0xb8;
	[tilespmem:$0x1E800] =	vst v63  }
0x30: {  	_ =	swait.ge [sflag:s12], $0x4000  }
0x31: {  	s24 =	simm.s32 $0x800;
	s23 =	simm.s32 $0x100;
	[sflag:s12] =	ssyncset.done $0x0  }
.LBB2_2:
0x32: {  	s25 =	sadd.s32 $0x80, s23  }
0x33: {  	[sflag:s12] =	ssyncadd.s32 $0xFFFFC000;
	s26 =	smov.u32 s24;
	s28 =	sadd.s32 $0x400, s24  }
0x34: {  	[tilespmem:s16], [sflag:$0x2] =	stream.indirect.gather [hbm4b:s1+s14], $0x80, s25, s14, $0xb8;
	[tilespmem:$0x1E800] =	vst v63  }
0x35: {  	p1 =	sne.s32 s24, $0x4800;
	_ =	swait.ge [sflag:s17], $0x4000  }
0x36: {  	[sflag:s17] =	ssyncset.done $0x0  }
0x37: {  	s24 =	sadd.s32 $0x1400, s23;
	[sflag:s17] =	ssyncadd.s32 $0xFFFFC000  }
0x38: {  	[spmem:s2] =	stream.indirect.scatter.add.f32 [tilespmem:s15], [sflag:$0x3], $0x80, s24, s14, $0xb8;
	[tilespmem:$0x1E800] =	vst v63  }
0x39: {  	_ =	swait.ge [sflag:s12], $0x4000  }
0x3a: {  	[sflag:s12] =	ssyncset.done $0x0  }
0x3b: {  	s24 =	sadd.s32 $0x100, s23;
	[sflag:s12] =	ssyncadd.s32 $0xFFFFC000  }
0x3c: {  	[tilespmem:s15], [sflag:$0x1] =	stream.indirect.gather [hbm4b:s1+s14], $0x80, s24, s14, $0xb8;
	[tilespmem:$0x1E800] =	vst v63  }
0x3d: {  	_ =	swait.ge [sflag:s18], $0x4000  }
.Ltmp0:
0x3e: {  	[sflag:s18] =	ssyncset.done $0x0;
	(pc) =	sbr.rel @p1 .LBB2_2-.Ltmp0, $4  }
0x3f: {  	s23 =	sadd.s32 $0x1480, s23;
	[sflag:s18] =	ssyncadd.s32 $0xFFFFC000  }
0x40: {  	[spmem:s2] =	stream.indirect.scatter.add.f32 [tilespmem:s16], [sflag:$0x3], $0x80, s23, s14, $0xb8;
	[tilespmem:$0x1E800] =	vst v63  }
0x41: {  	_ =	swait.ge [sflag:s12], $0x4000  }
0x42: {  	s24 =	smov.u32 s28;
	s23 =	sshra.s32 s26, $0x2;
	[sflag:s12] =	ssyncset.done $0x0  }
0x43: {  	s24 =	sadd.s32 $0x80, s23;
	[sflag:s12] =	ssyncadd.s32 $0xFFFFC000  }
0x44: {  	[tilespmem:s16], [sflag:$0x2] =	stream.indirect.gather [hbm4b:s1+s14], $0x80, s24, s14, $0xb8;
	[tilespmem:$0x1E800] =	vst v63  }
0x45: {  	_ =	swait.ge [sflag:s17], $0x4000  }
0x46: {  	[sflag:s17] =	ssyncset.done $0x0  }
0x47: {  	s30 =	sadd.s32 $0x1400, s23;
	[sflag:s17] =	ssyncadd.s32 $0xFFFFC000  }
0x48: {  	[spmem:s2] =	stream.indirect.scatter.add.f32 [tilespmem:s15], [sflag:$0x3], $0x80, s30, s14, $0xb8;
	[tilespmem:$0x1E800] =	vst v63  }
0x49: {  	_ =	swait.ge [sflag:s12], $0x4000  }
0x4a: {  	[sflag:s12] =	ssyncset.done $0x0  }
0x4b: {  	s31 =	sadd.s32 $0x100, s23;
	[sflag:s12] =	ssyncadd.s32 $0xFFFFC000  }
0x4c: {  	[tilespmem:s15], [sflag:$0x1] =	stream.indirect.gather [hbm4b:s1+s14], $0x80, s31, s14, $0xb8;
	[tilespmem:$0x1E800] =	vst v63  }
0x4d: {  	_ =	swait.ge [sflag:s18], $0x4000  }
0x4e: {  	[sflag:s18] =	ssyncset.done $0x0  }
0x4f: {  	s25 =	sadd.s32 $0x1480, s23;
	[sflag:s18] =	ssyncadd.s32 $0xFFFFC000  }
0x50: {  	[spmem:s2] =	stream.indirect.scatter.add.f32 [tilespmem:s16], [sflag:$0x3], $0x80, s25, s14, $0xb8;
	[tilespmem:$0x1E800] =	vst v63  }
0x51: {  	_ =	swait.ge [sflag:s12], $0x4000  }
0x52: {  	[sflag:s12] =	ssyncset.done $0x0  }
0x53: {  	[sflag:s12] =	ssyncadd.s32 $0xFFFFC000  }
0x54: {  	[tilespmem:s16], [sflag:$0x2] =	stream.indirect.gather [hbm4b:s1+s14], $0x80, s19, s14, $0xb8;
	[tilespmem:$0x1E800] =	vst v63  }
0x55: {  	_ =	swait.ge [sflag:s17], $0x4000  }
0x56: {  	[sflag:s17] =	ssyncset.done $0x0  }
0x57: {  	[sflag:s17] =	ssyncadd.s32 $0xFFFFC000  }
0x58: {  	[spmem:s2] =	stream.indirect.scatter.add.f32 [tilespmem:s15], [sflag:$0x3], $0x80, s20, s14, $0xb8;
	[tilespmem:$0x1E800] =	vst v63  }
0x59: {  	_ =	swait.ge [sflag:s12], $0x4000  }
0x5a: {  	[sflag:s12] =	ssyncset.done $0x0  }
0x5b: {  	[sflag:s12] =	ssyncadd.s32 $0xFFFFC000  }
0x5c: {  	_ =	swait.ge [sflag:s18], $0x4000  }
0x5d: {  	[sflag:s18] =	ssyncset.done $0x0  }
0x5e: {  	[sflag:s18] =	ssyncadd.s32 $0xFFFFC000  }
0x5f: {  	[spmem:s2] =	stream.indirect.scatter.add.f32 [tilespmem:s16], [sflag:$0x3], $0x80, s21, s14, $0xb8;
	[tilespmem:$0x1E800] =	vst v63  }
0x60: {  	_ =	swait.ge [sflag:s12], $0x4000  }
0x61: {  	[sflag:s12] =	ssyncset.done $0x0  }
0x62: {  	s26 =	simm.s32 $0x0;
	[sflag:s12] =	ssyncadd.s32 $0xFFFFC000  }
0x63: {  	[tilespmem:s26], [sflag:$0x3] =	stream.linear.gather [hbm4b:s7+s26], $0x1400, $0x38;
	[tilespmem:$0x1E800] =	vst v63  }
0x64: {  	_ =	swait.ge [sflag:s12], $0x1400  }
0x65: {  	[sflag:s12] =	ssyncset.done $0x0  }
0x66: {  	[sflag:s12] =	ssyncadd.s32 $0xFFFFEC00  }
0x67: {  	[tilespmem:s13], [sflag:$0x3] =	stream.linear.gather [hbm4b:s8+s26], $0x1400, $0x38;
	[tilespmem:$0x1E800] =	vst v63  }
0x68: {  	_ =	swait.ge [sflag:s12], $0x1400  }
0x69: {  	[sflag:s12] =	ssyncset.done $0x0  }
0x6a: {  	[sflag:s12] =	ssyncadd.s32 $0xFFFFEC00  }
0x6b: {  	[tilespmem:s15], [sflag:$0x1] =	stream.indirect.gather [hbm4b:s1+s14], $0x80, s26, s14, $0xb8;
	[tilespmem:$0x1E800] =	vst v63  }
0x6c: {  	s28 =	simm.s32 $0x80  }
0x6d: {  	[tilespmem:s16], [sflag:$0x2] =	stream.indirect.gather [hbm4b:s1+s14], $0x80, s28, s14, $0xb8;
	[tilespmem:$0x1E800] =	vst v63  }
0x6e: {  	_ =	swait.ge [sflag:s17], $0x4000  }
0x6f: {  	[sflag:s17] =	ssyncset.done $0x0  }
0x70: {  	s29 =	simm.s32 $0x1400;
	[sflag:s17] =	ssyncadd.s32 $0xFFFFC000  }
0x71: {  	[spmem:s2] =	stream.indirect.scatter.add.f32 [tilespmem:s15], [sflag:$0x3], $0x80, s29, s14, $0xb8;
	[tilespmem:$0x1E800] =	vst v63  }
0x72: {  	_ =	swait.ge [sflag:s12], $0x4000  }
0x73: {  	[sflag:s12] =	ssyncset.done $0x0  }
0x74: {  	s30 =	simm.s32 $0x100;
	[sflag:s12] =	ssyncadd.s32 $0xFFFFC000  }
0x75: {  	[tilespmem:s15], [sflag:$0x1] =	stream.indirect.gather [hbm4b:s1+s14], $0x80, s30, s14, $0xb8;
	[tilespmem:$0x1E800] =	vst v63  }
0x76: {  	_ =	swait.ge [sflag:s18], $0x4000  }
0x77: {  	[sflag:s18] =	ssyncset.done $0x0  }
0x78: {  	s31 =	simm.s32 $0x1480;
	[sflag:s18] =	ssyncadd.s32 $0xFFFFC000  }
0x79: {  	[spmem:s2] =	stream.indirect.scatter.add.f32 [tilespmem:s16], [sflag:$0x3], $0x80, s31, s14, $0xb8;
	[tilespmem:$0x1E800] =	vst v63  }
0x7a: {  	_ =	swait.ge [sflag:s12], $0x4000  }
0x7b: {  	s23 =	simm.s32 $0x100;
	s24 =	simm.s32 $0x800;
	[sflag:s12] =	ssyncset.done $0x0  }
.LBB2_4:
0x7c: {  	s25 =	sadd.s32 $0x80, s23  }
0x7d: {  	[sflag:s12] =	ssyncadd.s32 $0xFFFFC000;
	s26 =	smov.u32 s24;
	s28 =	sadd.s32 $0x400, s24  }
0x7e: {  	[tilespmem:s16], [sflag:$0x2] =	stream.indirect.gather [hbm4b:s1+s14], $0x80, s25, s14, $0xb8;
	[tilespmem:$0x1E800] =	vst v63  }
0x7f: {  	p1 =	sne.s32 s24, $0x4800;
	_ =	swait.ge [sflag:s17], $0x4000  }
0x80: {  	[sflag:s17] =	ssyncset.done $0x0  }
0x81: {  	s24 =	sadd.s32 $0x1400, s23;
	[sflag:s17] =	ssyncadd.s32 $0xFFFFC000  }
0x82: {  	[spmem:s2] =	stream.indirect.scatter.add.f32 [tilespmem:s15], [sflag:$0x3], $0x80, s24, s14, $0xb8;
	[tilespmem:$0x1E800] =	vst v63  }
0x83: {  	_ =	swait.ge [sflag:s12], $0x4000  }
0x84: {  	[sflag:s12] =	ssyncset.done $0x0  }
0x85: {  	s24 =	sadd.s32 $0x100, s23;
	[sflag:s12] =	ssyncadd.s32 $0xFFFFC000  }
0x86: {  	[tilespmem:s15], [sflag:$0x1] =	stream.indirect.gather [hbm4b:s1+s14], $0x80, s24, s14, $0xb8;
	[tilespmem:$0x1E800] =	vst v63  }
0x87: {  	_ =	swait.ge [sflag:s18], $0x4000  }
.Ltmp1:
0x88: {  	[sflag:s18] =	ssyncset.done $0x0;
	(pc) =	sbr.rel @p1 .LBB2_4-.Ltmp1, $4  }
0x89: {  	s23 =	sadd.s32 $0x1480, s23;
	[sflag:s18] =	ssyncadd.s32 $0xFFFFC000  }
0x8a: {  	[spmem:s2] =	stream.indirect.scatter.add.f32 [tilespmem:s16], [sflag:$0x3], $0x80, s23, s14, $0xb8;
	[tilespmem:$0x1E800] =	vst v63  }
0x8b: {  	_ =	swait.ge [sflag:s12], $0x4000  }
0x8c: {  	s24 =	smov.u32 s28;
	s23 =	sshra.s32 s26, $0x2;
	[sflag:s12] =	ssyncset.done $0x0  }
0x8d: {  	s24 =	sadd.s32 $0x80, s23;
	[sflag:s12] =	ssyncadd.s32 $0xFFFFC000  }
0x8e: {  	[tilespmem:s16], [sflag:$0x2] =	stream.indirect.gather [hbm4b:s1+s14], $0x80, s24, s14, $0xb8;
	[tilespmem:$0x1E800] =	vst v63  }
0x8f: {  	_ =	swait.ge [sflag:s17], $0x4000  }
0x90: {  	[sflag:s17] =	ssyncset.done $0x0  }
0x91: {  	s29 =	sadd.s32 $0x1400, s23;
	[sflag:s17] =	ssyncadd.s32 $0xFFFFC000  }
0x92: {  	[spmem:s2] =	stream.indirect.scatter.add.f32 [tilespmem:s15], [sflag:$0x3], $0x80, s29, s14, $0xb8;
	[tilespmem:$0x1E800] =	vst v63  }
0x93: {  	_ =	swait.ge [sflag:s12], $0x4000  }
0x94: {  	[sflag:s12] =	ssyncset.done $0x0  }
0x95: {  	s30 =	sadd.s32 $0x100, s23;
	[sflag:s12] =	ssyncadd.s32 $0xFFFFC000  }
0x96: {  	[tilespmem:s15], [sflag:$0x1] =	stream.indirect.gather [hbm4b:s1+s14], $0x80, s30, s14, $0xb8;
	[tilespmem:$0x1E800] =	vst v63  }
0x97: {  	_ =	swait.ge [sflag:s18], $0x4000  }
0x98: {  	[sflag:s18] =	ssyncset.done $0x0  }
0x99: {  	s31 =	sadd.s32 $0x1480, s23;
	[sflag:s18] =	ssyncadd.s32 $0xFFFFC000  }
0x9a: {  	[spmem:s2] =	stream.indirect.scatter.add.f32 [tilespmem:s16], [sflag:$0x3], $0x80, s31, s14, $0xb8;
	[tilespmem:$0x1E800] =	vst v63  }
0x9b: {  	_ =	swait.ge [sflag:s12], $0x4000  }
0x9c: {  	[sflag:s12] =	ssyncset.done $0x0  }
0x9d: {  	[sflag:s12] =	ssyncadd.s32 $0xFFFFC000  }
0x9e: {  	[tilespmem:s16], [sflag:$0x2] =	stream.indirect.gather [hbm4b:s1+s14], $0x80, s19, s14, $0xb8;
	[tilespmem:$0x1E800] =	vst v63  }
0x9f: {  	_ =	swait.ge [sflag:s17], $0x4000  }
0xa0: {  	[sflag:s17] =	ssyncset.done $0x0  }
0xa1: {  	[sflag:s17] =	ssyncadd.s32 $0xFFFFC000  }
0xa2: {  	[spmem:s2] =	stream.indirect.scatter.add.f32 [tilespmem:s15], [sflag:$0x3], $0x80, s20, s14, $0xb8;
	[tilespmem:$0x1E800] =	vst v63  }
0xa3: {  	_ =	swait.ge [sflag:s12], $0x4000  }
0xa4: {  	[sflag:s12] =	ssyncset.done $0x0  }
0xa5: {  	[sflag:s12] =	ssyncadd.s32 $0xFFFFC000  }
0xa6: {  	_ =	swait.ge [sflag:s18], $0x4000  }
0xa7: {  	[sflag:s18] =	ssyncset.done $0x0  }
0xa8: {  	[sflag:s18] =	ssyncadd.s32 $0xFFFFC000  }
0xa9: {  	[spmem:s2] =	stream.indirect.scatter.add.f32 [tilespmem:s16], [sflag:$0x3], $0x80, s21, s14, $0xb8;
	[tilespmem:$0x1E800] =	vst v63  }
0xaa: {  	_ =	swait.ge [sflag:s12], $0x4000  }
0xab: {  	[sflag:s12] =	ssyncset.done $0x0  }
0xac: {  	s22 =	sadd.s32 $0x1, s22;
	[sflag:s12] =	ssyncadd.s32 $0xFFFFC000  }
0xad: {  	s23 =	simm.s32 @!p0 $0x1C03;
	p1 =	sne.s32 s22, s10;
	[bflag:$0x0] =	sbarrier.arrive $0xFFFF  }
0xae: {  	[hbm:s9], [sflag:s23] =	dma.local @!p0 [spmem:s11], $0x28000  }
.Ltmp2:
0xaf: {  	_ = 	snop;
	(pc) =	sbr.rel @p1 .LBB2_1-.Ltmp2, $4  }
0xb0: {  	s23 =	simm.s32 @!p0 $0x3  }
0xb1: {  	_ =	swait.ge @!p0 [sflag:s23], $0x28000  }
0xb2: {  	[sflag:s23] =	ssyncset.done @!p0 $0x0  }
0xb3: {  	[sflag:s23] =	ssyncadd.s32 @!p0 $0xFFFD8000  }
0xb4: {  	_ =	sfence.sel $0x180000  }
0xb5: {  	[bflag:$0x0] =	sbarrier.arrive $0xFFFF  }
0xb6: {  	_ =	strace $0x9000004D  }
0xb7: {  	s0 =	sadd.s32 @!p0 $0x100000, s0;
	[bflag:$0x2] =	sbarrier.arrive $0xFFFF  }
0xb8: {  	[sflag:s0] =	ssyncadd.tile.s32 @!p0 $0x1;
	_ =	shalt  }
.Lfunc_end2:
_tile_overlayer_lowered:
.L_overlay_start_2:
0xb9: {  	(tag) =	ssettag $0x2  }
0xba: {  	s0 =	rddreg [dreg:$0x0];
	s2 =	stileid.u32  }
0xbb: {  	s1 =	rddreg [dreg:$0x1];
	p0 =	sne.s32 s2, $0x0  }
0xbc: {  	s3 =	rddreg [dreg:$0x2];
	[bflag:$0x3] =	sbarrier.arrive $0xFFFF;
	s2 =	simm.s32 @!p0 $0x1C03  }
0xbd: {  	[timem:s3], [sflag:s2] =	dma.local @!p0 [hbm:s0], s1  }
0xbe: {  	s0 =	simm.s32 @!p0 $0x3  }
0xbf: {  	_ =	swait.ge @!p0 [sflag:s0], s1  }
0xc0: {  	s1 =	ssub.s32 @!p0 $0x0, s1;
	[sflag:s0] =	ssyncset.done @!p0 $0x0  }
0xc1: {  	[sflag:s0] =	ssyncadd.s32 @!p0 s1  }
0xc2: {  	[bflag:$0x3] =	sbarrier.arrive $0xFFFF  }
0xc3: {  	_ =	shalt  }

// kernel: kernel.8.cloned.1.call-start
scs
__scs_entry_jumppad:
0x0: {  	(pc) =	sbr.rel $0x88, $3  }
0x1: {  	(tag) =	ssettag $0x0;
	lr =	simm.s32 $0x1  }
0x2: {  	[smem:$0x3F9B] =	sst lr;
	_ =	strace $0xD0000000  }
0x3: {  	_ = 	snop  }
0x4: {  	_ = 	snop  }
0x5: {  	_ = 	snop  }
0x6: {  	_ = 	snop  }
0x7: {  	_ = 	snop  }
__scs_overlays_trampoline_lowered:
0x8: {  	[smem:$0x3FAA] =	sst s0  }
0x9: {  	[smem:$0x3FAB] =	sst s1  }
0xa: {  	[smem:$0x3FAC] =	sst s2  }
0xb: {  	[smem:$0x3FAD] =	sst s3  }
0xc: {  	[smem:$0x3FAE] =	sst s4  }
0xd: {  	[smem:$0x3FAF] =	sst s5  }
0xe: {  	[smem:$0x3FB0] =	sst s6  }
0xf: {  	[smem:$0x3FB1] =	sst s7  }
0x10: {  	[smem:$0x3FB2] =	sst s8  }
0x11: {  	[smem:$0x3FB3] =	sst s9;
	s0 =	simm.s32 @!p0 $0x0  }
0x12: {  	s1 =	sld [smem:$0x3F99];
	s0 =	simm.s32 @p0 $0x1  }
0x13: {  	[smem:$0x3FB4] =	sst s0;
	s0 =	simm.s32 @!p1 $0x0  }
0x14: {  	s2 =	sld [smem:$0x3F98];
	s0 =	simm.s32 @p1 $0x1  }
0x15: {  	[smem:$0x3FB5] =	sst s0;
	s0 =	simm.s32 @!p2 $0x0  }
0x16: {  	s3 =	sld [smem:$0x3FDB];
	s0 =	simm.s32 @p2 $0x1  }
0x17: {  	s4 =	simm.s32 $0x1BF5;
	[smem:$0x3FB7] =	sst s0  }
0x18: {  	s0 =	sld [smem:$0x3F9A];
	_ =	swait.ge [sflag:s4], $0x0  }
0x19: {  	s7 =	sld [smem:$0x3F9B]  }
0x1a: {  	s8 =	sadd.s32 $0xFFFFE003, lr  }
0x1b: {  	s9 =	sadd.s32 $0xFFFFFEF7, lr;
	s5 =	simm.s32 $0xFFFFFFFF;
	p2 =	slt.u32 s8, $0xFFFFF086  }
0x1c: {  	p1 =	slt.u32 s9, $0xF7A;
	s5 =	simm.s32 @!p2 $0x0  }
0x1d: {  	s5 =	simm.s32 @p1 $0x1;
	p0 =	seq.s32 s7, s2  }
0x1e: {  	s7 =	smul.u32 @!p0 $0xF7A, s2;
	p2 =	seq.s32 @!p0 s5, $0x0  }
0x1f: {  	s9 =	smul.u32 $0xF7A, s1;
	s8 =	simm.s32 @!p0 $0x1BF5;
	p2 =	por !p2, p0  }
0x20: {  	[sflag:s8] =	ssyncset.s32 @!p0 $0xFFFFF086;
	s6 =	sadd.s32 @!p0 s3, s7;
	s7 =	simm.s32 @!p0 $0x108  }
0x21: {  	s3 =	sadd.s32 s3, s9;
	s6 =	sadd.s32 @!p0 $0x88, s6;
	s7 =	simm.s32 @p2 $0x1082  }
0x22: {  	[simem:s7], [sflag:s8] =	dma.local @!p0 [hbm:s6], $0xF7A  }
0x23: {  	s9 =	sor.u32 $0xD0000000, s2;
	s6 =	simm.s32 $0x108;
	_ =	swait.ge @!p0 [sflag:s8], $0x0  }
0x24: {  	s3 =	sadd.s32 $0x88, s3;
	s6 =	simm.s32 @!p1 $0x1082;
	[sflag:s4] =	ssyncset.s32 $0xFFFFF086  }
0x25: {  	[simem:s6], [sflag:s4] =	dma.local [hbm:s3], $0xF7A  }
0x26: {  	[smem:$0x3F9B] =	sst s1;
	(tag) =	ssettag s2;
	_ =	strace s9  }
0x27: {  	s1 =	sld [smem:$0x3FAB]  }
0x28: {  	s2 =	sld [smem:$0x3FAC]  }
0x29: {  	s4 =	sld [smem:$0x3FAE]  }
0x2a: {  	p0 =	seq.s32 s5, $0x0;
	s5 =	sld [smem:$0x3FAF]  }
0x2b: {  	s6 =	sld [smem:$0x3FB0]  }
0x2c: {  	s7 =	sld [smem:$0x3FB1]  }
0x2d: {  	s3 =	simm.s32 $0x108;
	s8 =	sld [smem:$0x3FB2]  }
0x2e: {  	s3 =	simm.s32 @!p0 $0x1082;
	s9 =	sld [smem:$0x3FB3]  }
0x2f: {  	lr =	sadd.s32 s0, s3;
	s0 =	sld [smem:$0x3FAA]  }
0x30: {  	s3 =	sld [smem:$0x3FAD]  }
0x31: {  	[smem:$0x3FB6] =	sst s10  }
0x32: {  	s10 =	sld [smem:$0x3FB4];
	_ =	sdelay $0x3  }
0x33: {  	p0 =	seq.s32 s10, $0x1;
	s10 =	sld [smem:$0x3FB6];
	_ =	sdelay $0x3  }
0x34: {  	[smem:$0x3FB6] =	sst s10  }
0x35: {  	s10 =	sld [smem:$0x3FB5];
	_ =	sdelay $0x3  }
0x36: {  	p1 =	seq.s32 s10, $0x1;
	s10 =	sld [smem:$0x3FB6];
	_ =	sdelay $0x3  }
0x37: {  	[smem:$0x3FB6] =	sst s10  }
0x38: {  	s10 =	sld [smem:$0x3FB7]  }
0x39: {  	_ = 	snop;
	(pc) =	sbr.ind lr, $3  }
0x3a: {  	_ = 	snop  }
0x3b: {  	_ = 	snop  }
0x3c: {  	p2 =	seq.s32 s10, $0x1;
	s10 =	sld [smem:$0x3FB6]  }
0x3d: {  	_ =	shalt  }
0x3e: {  	_ =	shalt  }
0x3f: {  	_ =	shalt  }
0x40: {  	_ =	shalt  }
0x41: {  	_ =	shalt  }
0x42: {  	_ =	shalt  }
0x43: {  	_ =	shalt  }
0x44: {  	_ =	shalt  }
0x45: {  	_ =	shalt  }
0x46: {  	_ =	shalt  }
0x47: {  	_ =	shalt  }
0x48: {  	_ =	shalt  }
0x49: {  	_ =	shalt  }
0x4a: {  	_ =	shalt  }
0x4b: {  	_ =	shalt  }
0x4c: {  	_ =	shalt  }
0x4d: {  	_ =	shalt  }
0x4e: {  	_ =	shalt  }
0x4f: {  	_ =	shalt  }
0x50: {  	_ =	shalt  }
0x51: {  	_ =	shalt  }
0x52: {  	_ =	shalt  }
0x53: {  	_ =	shalt  }
0x54: {  	_ =	shalt  }
0x55: {  	_ =	shalt  }
0x56: {  	_ =	shalt  }
0x57: {  	_ =	shalt  }
0x58: {  	_ =	shalt  }
0x59: {  	_ =	shalt  }
0x5a: {  	_ =	shalt  }
0x5b: {  	_ =	shalt  }
0x5c: {  	_ =	shalt  }
0x5d: {  	_ =	shalt  }
0x5e: {  	_ =	shalt  }
0x5f: {  	_ =	shalt  }
0x60: {  	_ =	shalt  }
0x61: {  	_ =	shalt  }
0x62: {  	_ =	shalt  }
0x63: {  	_ =	shalt  }
0x64: {  	_ =	shalt  }
0x65: {  	_ =	shalt  }
0x66: {  	_ =	shalt  }
0x67: {  	_ =	shalt  }
0x68: {  	_ =	shalt  }
0x69: {  	_ =	shalt  }
0x6a: {  	_ =	shalt  }
0x6b: {  	_ =	shalt  }
0x6c: {  	_ =	shalt  }
0x6d: {  	_ =	shalt  }
0x6e: {  	_ =	shalt  }
0x6f: {  	_ =	shalt  }
0x70: {  	_ =	shalt  }
0x71: {  	_ =	shalt  }
0x72: {  	_ =	shalt  }
0x73: {  	_ =	shalt  }
0x74: {  	_ =	shalt  }
0x75: {  	_ =	shalt  }
0x76: {  	_ =	shalt  }
0x77: {  	_ =	shalt  }
0x78: {  	_ =	shalt  }
0x79: {  	_ =	shalt  }
0x7a: {  	_ =	shalt  }
0x7b: {  	_ =	shalt  }
0x7c: {  	_ =	shalt  }
0x7d: {  	_ =	shalt  }
0x7e: {  	_ =	shalt  }
0x7f: {  	_ =	shalt  }
0x80: {  	_ =	shalt  }
0x81: {  	_ =	shalt  }
0x82: {  	_ =	shalt  }
0x83: {  	_ =	shalt  }
0x84: {  	_ =	shalt  }
0x85: {  	_ =	shalt  }
0x86: {  	_ =	shalt  }
0x87: {  	_ =	shalt  }
.Lfunc_end0:
.L_simem_size_0:
called_computation_lowered:
.L_overlay_start_0:
0x88: {  	s2 =	sld [smem:$0x3FD9]  }
0x89: {  	s3 =	sld [smem:$0x3FFE];
	_ =	sdelay $0x1  }
0x8a: {  	s1 =	srdreg.scid  }
0x8b: {  	s0 =	sand.u32 $0x1, s1  }
0x8c: {  	s17 =	sshll.u32 s0, $0xA;
	s2 =	sadd.s32 s3, s2  }
0x8d: {  	s2 =	sadd.s32 s2, s17  }
0x8e: {  	[smem:$0x3FC2] =	sst s2  }
0x8f: {  	_ = 	snop  }
0x90: {  	s2 =	sld [smem:$0x3FD0];
	(tm) =	ssettm $0x1  }
0x91: {  	s18 =	sld [smem:$0x3FFB];
	_ =	sdelay $0x3  }
0x92: {  	_ =	strace s18  }
0x93: {  	s3 =	sld [smem:$0x3FFC];
	_ =	sdelay $0x3  }
0x94: {  	_ =	strace s3  }
0x95: {  	s3 =	sld [smem:$0x3FFD];
	_ =	sdelay $0x3  }
0x96: {  	_ =	strace s3  }
0x97: {  	_ =	strace $0x8FFFFFFF  }
0x98: {  	s19 =	sld [smem:$0x3FDB];
	_ =	sdelay $0x1  }
0x99: {  	s4 =	simm.s32 $_scs_section_size  }
0x9a: {  	s5 =	simm.s32 $_size__tile_overlayer_lowered;
	s6 =	simm.s32 $_tile_overlayer_lowered  }
0x9b: {  	s22 =	simm.s32 $0x1BFF;
	s21 =	sshll.u32 s6, $0x1;
	s3 =	sadd.s32 s4, s19  }
0x9c: {  	s7 =	simm.s32 $0x0;
	s20 =	sshll.u32 s5, $0x1;
	s5 =	sadd.s32 s21, s3  }
0x9d: {  	[timem:s7], [sflag:s22] =	dma.local [hbm:s5], s20  }
0x9e: {  	_ =	swait.ge [sflag:s22], s20  }
0x9f: {  	s4 =	ssub.s32 $0x0, s20;
	[sflag:s22] =	ssyncset.done $0x0  }
0xa0: {  	[sflag:s22] =	ssyncadd.s32 s4;
	_ =	sdelay $0x1  }
0xa1: {  	s23 =	simm.s32 $0x1B8B  }
0xa2: {  	_ =	swait.ge [sflag:s23], $0x1  }
0xa3: {  	[sflag:s23] =	ssyncset.done $0x0  }
0xa4: {  	s25 =	simm.s32 $0x1B8E;
	s24 =	sld [smem:$0x3FFE];
	[sflag:s23] =	ssyncadd.s32 $0xFFFFFFFF  }
0xa5: {  	s26 =	simm.s32 $execute0_lowered;
	[smem:$0x3FD2] =	sst s25  }
0xa6: {  	s5 =	sshll.u32 s26, $0x1;
	_ =	strace $0x80000046;
	[dreg:$0x1] =	wrdreg $0xFFFFFFFF  }
0xa7: {  	s28 =	simm.s32 $_size_execute0_lowered;
	s3 =	sadd.s32 s3, s5;
	[dreg:$0x0] =	wrdreg $0x0  }
0xa8: {  	s5 =	sshll.u32 s28, $0x1;
	[dreg:$0x2] =	wrdreg s3  }
0xa9: {  	[dreg:$0x3] =	wrdreg s5  }
0xaa: {  	[dreg:$0x4] =	wrdreg $0xC0  }
0xab: {  	_ =	task [dreg:s7], $0x5FFFF  }
0xac: {  	[dreg:$0x1] =	wrdreg $0xFFFFFFFF  }
0xad: {  	[dreg:$0x0] =	wrdreg $0x60  }
0xae: {  	[dreg:$0x2] =	wrdreg s24  }
0xaf: {  	[dreg:$0x3] =	wrdreg s2  }
0xb0: {  	[dreg:$0x4] =	wrdreg $0x44000  }
0xb1: {  	[dreg:$0x5] =	wrdreg $0x9  }
0xb2: {  	_ =	task.clear_ibuf [dreg:s7], $0x6FFFF;
	_ =	strace $0x90000046  }
0xb3: {  	s29 =	simm.s32 $0x9;
	_ =	strace $0x80000048  }
0xb4: {  	_ =	swait.ge [sflag:s29], $0x1  }
0xb5: {  	[sflag:s29] =	ssyncadd.s32 $0xFFFFFFFF  }
0xb6: {  	_ =	strace $0x90000048  }
0xb7: {  	_ =	sfence  }
0xb8: {  	s30 =	sld [smem:$0x0];
	_ =	sdelay $0x2  }
0xb9: {  	s31 =	sshll.u32 s1, $0xD;
	s1 =	sshrl.u32 s1, $0x2  }
0xba: {  	s3 =	sand.u32 $0x4000, s31;
	s1 =	sadd.s32 s1, s30  }
0xbb: {  	s0 =	sor.u32 s3, s0;
	s1 =	sshll.u32 s1, $0x11  }
0xbc: {  	s0 =	sor.u32 s1, s0  }
0xbd: {  	s0 =	sadd.s32 $0x8F2B, s0  }
0xbe: {  	[sflag:s0] =	ssyncadd.remote.s32 $0x1  }
0xbf: {  	_ =	sfence.sel $0xFFFF  }
0xc0: {  	[dreg:$0x0] =	wrdreg $0xFFFFFFFF;
	(pc) =	sbr.abs _section_cstart, $3  }
0xc1: {  	[dreg:$0x1] =	wrdreg $0xFFFFFFFF  }
0xc2: {  	_ =	task.clear_ibuf [dreg:s7], $0x2FFFF;
	_ =	strace $0x9FFFFFFF  }
0xc3: {  	(tm) =	ssettm $0x7FFFFFFF  }
tec
execute0_lowered:
.L_overlay_start_1:
0x0: {  	(tag) =	ssettag $0x1  }
0x1: {  	s5 =	rddreg [dreg:$0x0]  }
0x2: {  	s1 =	rddreg [dreg:$0x1]  }
0x3: {  	s2 =	rddreg [dreg:$0x2]  }
0x4: {  	s0 =	rddreg [dreg:$0x3];
	s3 =	simm.s32 $0x0;
	s8 =	stileid.u32  }
0x5: {  	s4 =	srdreg.scid;
	s11 =	simm.s32 $0x80;
	s12 =	simm.s32 $0x100  }
0x6: {  	s13 =	simm.s32 $0x180;
	s14 =	simm.s32 $0x200;
	s15 =	simm.s32 $0x280  }
0x7: {  	s16 =	simm.s32 $0x300;
	s17 =	simm.s32 $0x380;
	s18 =	simm.s32 $0x1  }
0x8: {  	s19 =	simm.s32 $0x0;
	[smem:$0x7FF] =	sst s3;
	s6 =	smul.u32 $0xA00, s8  }
0x9: {  	s4 =	sand.u32 $0x1, s4;
	p0 =	sne.s32 s8, $0x0;
	s8 =	simm.s32 $0x400  }
0xa: {  	_ =	strace $0x80000047;
	s7 =	smul.u32 $0x28000, s4;
	s9 =	ssub.s32 $0x2, s4  }
0xb: {  	s10 =	smul.u32 $0x500, s4;
	s4 =	sadd.s32 $0x16800, s5;
	s30 =	sshrl.u32 s9, $0x1  }
0xc: {  	s6 =	sadd.s32 s6, s5;
	s5 =	sadd.s32 s7, s5;
	s7 =	ssub.s32 s9, s30  }
0xd: {  	s31 =	sadd.s32 s10, s6;
	s9 =	simm.s32 $0x2;
	s10 =	sshrl.u32 @!p0 s2, $0x3  }
0xe: {  	s5 =	sadd.s32 $0x3E800, s5;
	s6 =	smax.u32 s7, $0x1;
	s7 =	sadd.s32 $0x2800, s31  }
.LBB2_1:
0xf: {  	[tilespmem:s8], [sflag:$0x2] =	stream.linear.gather [hbm4b:s1+s3], $0x4000, $0x38;
	[tilespmem:$0x18400] =	vst v63  }
0x10: {  	_ =	swait.ge [sflag:s9], $0x4000  }
0x11: {  	[sflag:s9] =	ssyncset.done $0x0  }
0x12: {  	s20 =	simm.s32 @!p0 $0x1C02;
	[sflag:s9] =	ssyncadd.s32 $0xFFFFC000  }
0x13: {  	[spmem:s10], [sflag:s20] =	dma.local @!p0 [hbm:s4], $0x28000  }
0x14: {  	s20 =	simm.s32 @!p0 $0x2  }
0x15: {  	_ =	swait.ge @!p0 [sflag:s20], $0x28000  }
0x16: {  	[sflag:s20] =	ssyncset.done @!p0 $0x0  }
0x17: {  	[sflag:s20] =	ssyncadd.s32 @!p0 $0xFFFD8000  }
0x18: {  	s31 =	sadd.s32 $0x0, s7;
	[bflag:$0x0] =	sbarrier.arrive $0xFFFF  }
0x19: {  	[tilespmem:s3], [sflag:$0x2] =	stream.linear.gather [hbm4b:s31+s3], $0x400, $0x38;
	[tilespmem:$0x18400] =	vst v63  }
0x1a: {  	_ =	swait.ge [sflag:s9], $0x400  }
0x1b: {  	[sflag:s9] =	ssyncset.done $0x0  }
0x1c: {  	[sflag:s9] =	ssyncadd.s32 $0xFFFFFC00  }
0x1d: {  	[spmem:s2] =	stream.indirect.scatter.add.f32 [tilespmem:s8], [sflag:$0x1], $0x80, s3, s11, $0xb8;
	[tilespmem:$0x18400] =	vst v63  }
0x1e: {  	_ = 	snop  }
0x1f: {  	[spmem:s2] =	stream.indirect.scatter.add.f32 [tilespmem:s8], [sflag:$0x1], $0x80, s11, s11, $0xb8;
	[tilespmem:$0x18400] =	vst v63  }
0x20: {  	_ = 	snop  }
0x21: {  	[spmem:s2] =	stream.indirect.scatter.add.f32 [tilespmem:s8], [sflag:$0x1], $0x80, s12, s11, $0xb8;
	[tilespmem:$0x18400] =	vst v63  }
0x22: {  	_ = 	snop  }
0x23: {  	[spmem:s2] =	stream.indirect.scatter.add.f32 [tilespmem:s8], [sflag:$0x1], $0x80, s13, s11, $0xb8;
	[tilespmem:$0x18400] =	vst v63  }
0x24: {  	_ = 	snop  }
0x25: {  	[spmem:s2] =	stream.indirect.scatter.add.f32 [tilespmem:s8], [sflag:$0x1], $0x80, s14, s11, $0xb8;
	[tilespmem:$0x18400] =	vst v63  }
0x26: {  	_ = 	snop  }
0x27: {  	[spmem:s2] =	stream.indirect.scatter.add.f32 [tilespmem:s8], [sflag:$0x1], $0x80, s15, s11, $0xb8;
	[tilespmem:$0x18400] =	vst v63  }
0x28: {  	_ = 	snop  }
0x29: {  	[spmem:s2] =	stream.indirect.scatter.add.f32 [tilespmem:s8], [sflag:$0x1], $0x80, s16, s11, $0xb8;
	[tilespmem:$0x18400] =	vst v63  }
0x2a: {  	_ = 	snop  }
0x2b: {  	[spmem:s2] =	stream.indirect.scatter.add.f32 [tilespmem:s8], [sflag:$0x1], $0x80, s17, s11, $0xb8;
	[tilespmem:$0x18400] =	vst v63  }
0x2c: {  	_ =	swait.ge [sflag:s18], $0x4000  }
0x2d: {  	[sflag:s18] =	ssyncset.done $0x0  }
0x2e: {  	[sflag:s18] =	ssyncadd.s32 $0xFFFFC000  }
0x2f: {  	_ =	swait.ge [sflag:s18], $0x4000  }
0x30: {  	[sflag:s18] =	ssyncset.done $0x0  }
0x31: {  	[sflag:s18] =	ssyncadd.s32 $0xFFFFC000  }
0x32: {  	_ =	swait.ge [sflag:s18], $0x4000  }
0x33: {  	[sflag:s18] =	ssyncset.done $0x0  }
0x34: {  	[sflag:s18] =	ssyncadd.s32 $0xFFFFC000  }
0x35: {  	_ =	swait.ge [sflag:s18], $0x4000  }
0x36: {  	[sflag:s18] =	ssyncset.done $0x0  }
0x37: {  	[sflag:s18] =	ssyncadd.s32 $0xFFFFC000  }
0x38: {  	_ =	swait.ge [sflag:s18], $0x4000  }
0x39: {  	[sflag:s18] =	ssyncset.done $0x0  }
0x3a: {  	[sflag:s18] =	ssyncadd.s32 $0xFFFFC000  }
0x3b: {  	_ =	swait.ge [sflag:s18], $0x4000  }
0x3c: {  	[sflag:s18] =	ssyncset.done $0x0  }
0x3d: {  	[sflag:s18] =	ssyncadd.s32 $0xFFFFC000  }
0x3e: {  	_ =	swait.ge [sflag:s18], $0x4000  }
0x3f: {  	[sflag:s18] =	ssyncset.done $0x0  }
0x40: {  	[sflag:s18] =	ssyncadd.s32 $0xFFFFC000  }
0x41: {  	_ =	swait.ge [sflag:s18], $0x4000  }
0x42: {  	s22 =	simm.s32 $0x100;
	s20 =	simm.s32 $0x80;
	[sflag:s18] =	ssyncset.done $0x0  }
.LBB2_2:
0x43: {  	s23 =	sadd.s32 s20, s7  }
0x44: {  	[sflag:s18] =	ssyncadd.s32 $0xFFFFC000;
	s20 =	smov.u32 s22;
	s21 =	sadd.s32 $0x80, s22  }
0x45: {  	[tilespmem:s3], [sflag:$0x2] =	stream.linear.gather [hbm4b:s23+s3], $0x400, $0x38;
	[tilespmem:$0x18400] =	vst v63  }
0x46: {  	p1 =	sne.s32 s22, $0x480;
	_ =	swait.ge [sflag:s9], $0x400  }
0x47: {  	[sflag:s9] =	ssyncset.done $0x0  }
0x48: {  	[sflag:s9] =	ssyncadd.s32 $0xFFFFFC00  }
0x49: {  	[spmem:s2] =	stream.indirect.scatter.add.f32 [tilespmem:s8], [sflag:$0x1], $0x80, s3, s11, $0xb8;
	[tilespmem:$0x18400] =	vst v63  }
0x4a: {  	_ = 	snop  }
0x4b: {  	[spmem:s2] =	stream.indirect.scatter.add.f32 [tilespmem:s8], [sflag:$0x1], $0x80, s11, s11, $0xb8;
	[tilespmem:$0x18400] =	vst v63  }
0x4c: {  	_ = 	snop  }
0x4d: {  	[spmem:s2] =	stream.indirect.scatter.add.f32 [tilespmem:s8], [sflag:$0x1], $0x80, s12, s11, $0xb8;
	[tilespmem:$0x18400] =	vst v63  }
0x4e: {  	_ = 	snop  }
0x4f: {  	[spmem:s2] =	stream.indirect.scatter.add.f32 [tilespmem:s8], [sflag:$0x1], $0x80, s13, s11, $0xb8;
	[tilespmem:$0x18400] =	vst v63  }
0x50: {  	_ = 	snop  }
0x51: {  	[spmem:s2] =	stream.indirect.scatter.add.f32 [tilespmem:s8], [sflag:$0x1], $0x80, s14, s11, $0xb8;
	[tilespmem:$0x18400] =	vst v63  }
0x52: {  	_ = 	snop  }
0x53: {  	[spmem:s2] =	stream.indirect.scatter.add.f32 [tilespmem:s8], [sflag:$0x1], $0x80, s15, s11, $0xb8;
	[tilespmem:$0x18400] =	vst v63  }
0x54: {  	_ = 	snop  }
0x55: {  	[spmem:s2] =	stream.indirect.scatter.add.f32 [tilespmem:s8], [sflag:$0x1], $0x80, s16, s11, $0xb8;
	[tilespmem:$0x18400] =	vst v63  }
0x56: {  	_ = 	snop  }
0x57: {  	[spmem:s2] =	stream.indirect.scatter.add.f32 [tilespmem:s8], [sflag:$0x1], $0x80, s17, s11, $0xb8;
	[tilespmem:$0x18400] =	vst v63  }
0x58: {  	_ =	swait.ge [sflag:s18], $0x4000  }
0x59: {  	[sflag:s18] =	ssyncset.done $0x0  }
0x5a: {  	[sflag:s18] =	ssyncadd.s32 $0xFFFFC000  }
0x5b: {  	_ =	swait.ge [sflag:s18], $0x4000  }
0x5c: {  	[sflag:s18] =	ssyncset.done $0x0  }
0x5d: {  	[sflag:s18] =	ssyncadd.s32 $0xFFFFC000  }
0x5e: {  	_ =	swait.ge [sflag:s18], $0x4000  }
0x5f: {  	[sflag:s18] =	ssyncset.done $0x0  }
0x60: {  	[sflag:s18] =	ssyncadd.s32 $0xFFFFC000  }
0x61: {  	_ =	swait.ge [sflag:s18], $0x4000  }
0x62: {  	[sflag:s18] =	ssyncset.done $0x0  }
0x63: {  	[sflag:s18] =	ssyncadd.s32 $0xFFFFC000  }
0x64: {  	_ =	swait.ge [sflag:s18], $0x4000  }
0x65: {  	[sflag:s18] =	ssyncset.done $0x0  }
0x66: {  	[sflag:s18] =	ssyncadd.s32 $0xFFFFC000  }
0x67: {  	_ =	swait.ge [sflag:s18], $0x4000  }
0x68: {  	[sflag:s18] =	ssyncset.done $0x0  }
0x69: {  	[sflag:s18] =	ssyncadd.s32 $0xFFFFC000  }
.Ltmp0:
0x6a: {  	_ =	swait.ge [sflag:s18], $0x4000;
	(pc) =	sbr.rel @p1 .LBB2_2-.Ltmp0, $4  }
0x6b: {  	[sflag:s18] =	ssyncset.done $0x0  }
0x6c: {  	[sflag:s18] =	ssyncadd.s32 $0xFFFFC000  }
0x6d: {  	_ =	swait.ge [sflag:s18], $0x4000  }
0x6e: {  	s22 =	smov.u32 s21;
	[sflag:s18] =	ssyncset.done $0x0  }
0x6f: {  	s20 =	sadd.s32 s20, s7;
	[sflag:s18] =	ssyncadd.s32 $0xFFFFC000  }
0x70: {  	[tilespmem:s3], [sflag:$0x2] =	stream.linear.gather [hbm4b:s20+s3], $0x400, $0x38;
	[tilespmem:$0x18400] =	vst v63  }
0x71: {  	_ =	swait.ge [sflag:s9], $0x400  }
0x72: {  	[sflag:s9] =	ssyncset.done $0x0  }
0x73: {  	[sflag:s9] =	ssyncadd.s32 $0xFFFFFC00  }
0x74: {  	[spmem:s2] =	stream.indirect.scatter.add.f32 [tilespmem:s8], [sflag:$0x1], $0x80, s3, s11, $0xb8;
	[tilespmem:$0x18400] =	vst v63  }
0x75: {  	_ = 	snop  }
0x76: {  	[spmem:s2] =	stream.indirect.scatter.add.f32 [tilespmem:s8], [sflag:$0x1], $0x80, s11, s11, $0xb8;
	[tilespmem:$0x18400] =	vst v63  }
0x77: {  	_ = 	snop  }
0x78: {  	[spmem:s2] =	stream.indirect.scatter.add.f32 [tilespmem:s8], [sflag:$0x1], $0x80, s12, s11, $0xb8;
	[tilespmem:$0x18400] =	vst v63  }
0x79: {  	_ = 	snop  }
0x7a: {  	[spmem:s2] =	stream.indirect.scatter.add.f32 [tilespmem:s8], [sflag:$0x1], $0x80, s13, s11, $0xb8;
	[tilespmem:$0x18400] =	vst v63  }
0x7b: {  	_ = 	snop  }
0x7c: {  	[spmem:s2] =	stream.indirect.scatter.add.f32 [tilespmem:s8], [sflag:$0x1], $0x80, s14, s11, $0xb8;
	[tilespmem:$0x18400] =	vst v63  }
0x7d: {  	_ = 	snop  }
0x7e: {  	[spmem:s2] =	stream.indirect.scatter.add.f32 [tilespmem:s8], [sflag:$0x1], $0x80, s15, s11, $0xb8;
	[tilespmem:$0x18400] =	vst v63  }
0x7f: {  	_ = 	snop  }
0x80: {  	[spmem:s2] =	stream.indirect.scatter.add.f32 [tilespmem:s8], [sflag:$0x1], $0x80, s16, s11, $0xb8;
	[tilespmem:$0x18400] =	vst v63  }
0x81: {  	_ = 	snop  }
0x82: {  	[spmem:s2] =	stream.indirect.scatter.add.f32 [tilespmem:s8], [sflag:$0x1], $0x80, s17, s11, $0xb8;
	[tilespmem:$0x18400] =	vst v63  }
0x83: {  	_ =	swait.ge [sflag:s18], $0x4000  }
0x84: {  	[sflag:s18] =	ssyncset.done $0x0  }
0x85: {  	[sflag:s18] =	ssyncadd.s32 $0xFFFFC000  }
0x86: {  	_ =	swait.ge [sflag:s18], $0x4000  }
0x87: {  	[sflag:s18] =	ssyncset.done $0x0  }
0x88: {  	[sflag:s18] =	ssyncadd.s32 $0xFFFFC000  }
0x89: {  	_ =	swait.ge [sflag:s18], $0x4000  }
0x8a: {  	[sflag:s18] =	ssyncset.done $0x0  }
0x8b: {  	[sflag:s18] =	ssyncadd.s32 $0xFFFFC000  }
0x8c: {  	_ =	swait.ge [sflag:s18], $0x4000  }
0x8d: {  	[sflag:s18] =	ssyncset.done $0x0  }
0x8e: {  	[sflag:s18] =	ssyncadd.s32 $0xFFFFC000  }
0x8f: {  	_ =	swait.ge [sflag:s18], $0x4000  }
0x90: {  	[sflag:s18] =	ssyncset.done $0x0  }
0x91: {  	[sflag:s18] =	ssyncadd.s32 $0xFFFFC000  }
0x92: {  	_ =	swait.ge [sflag:s18], $0x4000  }
0x93: {  	[sflag:s18] =	ssyncset.done $0x0  }
0x94: {  	[sflag:s18] =	ssyncadd.s32 $0xFFFFC000  }
0x95: {  	_ =	swait.ge [sflag:s18], $0x4000  }
0x96: {  	[sflag:s18] =	ssyncset.done $0x0  }
0x97: {  	[sflag:s18] =	ssyncadd.s32 $0xFFFFC000  }
0x98: {  	_ =	swait.ge [sflag:s18], $0x4000  }
0x99: {  	[sflag:s18] =	ssyncset.done $0x0  }
0x9a: {  	s19 =	sadd.s32 $0x1, s19;
	[sflag:s18] =	ssyncadd.s32 $0xFFFFC000  }
0x9b: {  	s20 =	simm.s32 @!p0 $0x1C02;
	p1 =	sne.s32 s19, s6;
	[bflag:$0x0] =	sbarrier.arrive $0xFFFF  }
0x9c: {  	[hbm:s5], [sflag:s20] =	dma.local @!p0 [spmem:s10], $0x28000  }
.Ltmp1:
0x9d: {  	_ = 	snop;
	(pc) =	sbr.rel @p1 .LBB2_1-.Ltmp1, $4  }
0x9e: {  	s20 =	simm.s32 @!p0 $0x2  }
0x9f: {  	_ =	swait.ge @!p0 [sflag:s20], $0x28000  }
0xa0: {  	[sflag:s20] =	ssyncset.done @!p0 $0x0  }
0xa1: {  	[sflag:s20] =	ssyncadd.s32 @!p0 $0xFFFD8000  }
0xa2: {  	_ =	sfence.sel $0x180000  }
0xa3: {  	[bflag:$0x0] =	sbarrier.arrive $0xFFFF  }
0xa4: {  	_ =	strace $0x90000047  }
0xa5: {  	s0 =	sadd.s32 @!p0 $0x100000, s0;
	[bflag:$0x2] =	sbarrier.arrive $0xFFFF  }
0xa6: {  	[sflag:s0] =	ssyncadd.tile.s32 @!p0 $0x1;
	_ =	shalt  }
.Lfunc_end2:
_tile_overlayer_lowered:
.L_overlay_start_2:
0xa7: {  	(tag) =	ssettag $0x2  }
0xa8: {  	s0 =	rddreg [dreg:$0x0];
	s2 =	stileid.u32  }
0xa9: {  	s1 =	rddreg [dreg:$0x1];
	p0 =	sne.s32 s2, $0x0  }
0xaa: {  	s3 =	rddreg [dreg:$0x2];
	[bflag:$0x3] =	sbarrier.arrive $0xFFFF;
	s2 =	simm.s32 @!p0 $0x1C02  }
0xab: {  	[timem:s3], [sflag:s2] =	dma.local @!p0 [hbm:s0], s1  }
0xac: {  	s0 =	simm.s32 @!p0 $0x2  }
0xad: {  	_ =	swait.ge @!p0 [sflag:s0], s1  }
0xae: {  	s1 =	ssub.s32 @!p0 $0x0, s1;
	[sflag:s0] =	ssyncset.done @!p0 $0x0  }
0xaf: {  	[sflag:s0] =	ssyncadd.s32 @!p0 s1  }
0xb0: {  	[bflag:$0x3] =	sbarrier.arrive $0xFFFF  }
0xb1: {  	_ =	shalt  }

</sc_bundles>
